<compile_context>
chip_gen: v7x
topology: tpu7x:2x2x1
jax: 0.10.2.dev20260603
libtpu: 0.0.44.dev20260713+nightly
codegen_flags: <defaults>
</compile_context>

<pallas_src>
import functools

import jax
import jax.numpy as jnp
from jax import lax
from jax.experimental import pallas as pl
from jax.experimental.pallas import tpu as pltpu
from jax.experimental.pallas import tpu_sc as plsc


def _gather_kernel(V, B0, K, NC, NS):
    mesh = plsc.VectorSubcoreMesh(core_axis_name="c", subcore_axis_name="s")
    NW = NC * NS
    P = 4096
    PPR = B0 // P
    NPIECE = K * PPR
    nfull = NPIECE // NW
    nrem = NPIECE % NW
    maxp = nfull + (1 if nrem else 0)
    nh = nfull // 2
    assert NW % PPR == 0
    jstep = NW // PPR
    PS = 10000
    assert V % PS == 0 and PS % 8 == 0
    NP = V // PS
    max_i = (NP + NS - 1) // NS

    @functools.partial(
        pl.kernel,
        mesh=mesh,
        out_type=jax.ShapeDtypeStruct((K, B0), jnp.float32),
        scratch_types=[
            pltpu.VMEM_SHARED((V,), jnp.float32),
            pltpu.VMEM((PS,), jnp.float32),
            pltpu.VMEM((maxp * P,), jnp.int32),
            pltpu.VMEM((maxp * P,), jnp.float32),
            pltpu.SemaphoreType.DMA,
            pltpu.SemaphoreType.DMA,
            pltpu.SemaphoreType.DMA,
            pltpu.SemaphoreType.DMA,
        ],
        compiler_params=pltpu.CompilerParams(use_tc_tiling_on_sc=True),
    )
    def k(table_hbm, idx_hbm, out_hbm, shared, stage_v, idx_v, vals_v,
          semA, semB, semC, semD):
        c = lax.axis_index("c")
        s = lax.axis_index("s")
        wid = s * NC + c
        j0 = wid // PPR
        col0 = (wid % PPR) * P

        idx_copies = []
        for i in range(nfull):
            idx_copies.append(
                pltpu.async_copy(
                    idx_hbm.at[j0 + i * jstep, pl.ds(col0, P)],
                    idx_v.at[pl.ds(i * P, P)],
                    semA,
                )
            )

        @pl.when(wid < nrem)
        def _():
            pltpu.async_copy(
                idx_hbm.at[j0 + nfull * jstep, pl.ds(col0, P)],
                idx_v.at[pl.ds(nfull * P, P)],
                semA,
            )

        for i in range(max_i):
            p = i * NS + s

            @pl.when(p < NP)
            def _():
                off = p * PS
                pltpu.sync_copy(table_hbm.at[pl.ds(off, PS)], stage_v)
                pltpu.sync_copy(stage_v, shared.at[pl.ds(off, PS)])

        for cp in idx_copies:
            cp.wait()

        @pl.when(wid < nrem)
        def _():
            pltpu.make_async_copy(
                idx_hbm.at[j0 + nfull * jstep, pl.ds(col0, P)],
                idx_v.at[pl.ds(nfull * P, P)],
                semA,
            ).wait()

        plsc.subcore_barrier()

        g1 = pltpu.async_copy(
            shared.at[idx_v.at[pl.ds(0, nh * P)]],
            vals_v.at[pl.ds(0, nh * P)],
            semC,
        )
        g2 = pltpu.async_copy(
            shared.at[idx_v.at[pl.ds(nh * P, (nfull - nh) * P)]],
            vals_v.at[pl.ds(nh * P, (nfull - nh) * P)],
            semD,
        )

        @pl.when(wid < nrem)
        def _():
            pltpu.async_copy(
                shared.at[idx_v.at[pl.ds(nfull * P, P)]],
                vals_v.at[pl.ds(nfull * P, P)],
                semA,
            )

        out_copies = []
        g1.wait()
        for i in range(nh):
            out_copies.append(
                pltpu.async_copy(
                    vals_v.at[pl.ds(i * P, P)],
                    out_hbm.at[j0 + i * jstep, pl.ds(col0, P)],
                    semB,
                )
            )
        g2.wait()
        for i in range(nh, nfull):
            out_copies.append(
                pltpu.async_copy(
                    vals_v.at[pl.ds(i * P, P)],
                    out_hbm.at[j0 + i * jstep, pl.ds(col0, P)],
                    semB,
                )
            )

        @pl.when(wid < nrem)
        def _():
            pltpu.make_async_copy(
                shared.at[idx_v.at[pl.ds(nfull * P, P)]],
                vals_v.at[pl.ds(nfull * P, P)],
                semA,
            ).wait()
            pltpu.sync_copy(
                vals_v.at[pl.ds(nfull * P, P)],
                out_hbm.at[j0 + nfull * jstep, pl.ds(col0, P)],
            )

        for cp in out_copies:
            cp.wait()

    return k


def kernel(fit_X_col, donors_idx):
    B0, K = donors_idx.shape
    V = fit_X_col.shape[0]
    info = plsc.get_sparse_core_info()
    NC, NS = info.num_cores, info.num_subcores
    idx_t = donors_idx.astype(jnp.int32).T
    out_t = _gather_kernel(V, B0, K, NC, NS)(fit_X_col, idx_t)
    return out_t.T

# --- scband reference (transcript-rebuilt; emitter-appended) ---
"""Pipeline reference for scband-sub-take-25443386261845 (READ-ONLY COPY).

The authoritative reference and input builder live on the scoring server;
editing this copy changes nothing except your own understanding.
"""

import jax, jax.numpy as jnp
import numpy as np


def setup_inputs(seed: int = 0) -> dict:
    key = jax.random.key(seed)
    k1, k2 = jax.random.split(key)
    fit_X_col = jax.random.normal(k1, (1000000,), dtype=jnp.float32)
    donors_idx = jax.random.randint(k2, (16384, 50), 0, 1000000, dtype=jnp.int64)
    return {"fit_X_col": fit_X_col, "donors_idx": donors_idx}


def reference(fit_X_col, donors_idx):
    # torch.Tensor.take indexes the flattened source tensor and returns
    # an output with the same shape as the indices.
    return jnp.take(fit_X_col.ravel(), donors_idx)

if __name__ == "__main__":
    import jax
    _d = setup_inputs()
    print(jax.jit(kernel)(*tuple(_d.values())))

</pallas_src>

<mosaic_0001>
#map = affine_map<(d0, d1) -> (0)>
#map1 = affine_map<(d0, d1) -> (0, 0)>
module attributes {stable_mosaic.version = 14 : i64} {
  func.func @k(%arg0: i32, %arg1: i32, %arg2: memref<1000000xf32, #tpu.memory_space<hbm>>, %arg3: memref<50x16384xi32, #tpu.memory_space<hbm>>, %arg4: memref<50x16384xf32, #tpu.memory_space<hbm>>, %arg5: memref<1000000xf32, #tpu.memory_space<vmem_shared>>, %arg6: memref<10000xf32, #tpu.memory_space<vmem>>, %arg7: memref<28672xi32, #tpu.memory_space<vmem>>, %arg8: memref<28672xf32, #tpu.memory_space<vmem>>, %arg9: memref<!tpu.dma_semaphore, #tpu.memory_space<semaphore_mem>>, %arg10: memref<!tpu.dma_semaphore, #tpu.memory_space<semaphore_mem>>, %arg11: memref<!tpu.dma_semaphore, #tpu.memory_space<semaphore_mem>>, %arg12: memref<!tpu.dma_semaphore, #tpu.memory_space<semaphore_mem>>) attributes {dimension_semantics = [#tpu.dimension_semantics<core_parallel>, #tpu.dimension_semantics<subcore_parallel>], iteration_bounds = array<i64: 2, 16>, scalar_prefetch = 0 : i64, scratch_operands = 8 : i64, tpu.core_type = #tpu.core_type<sc_vector_subcore>, window_params = [{transform_indices = #map}, {transform_indices = #map1}, {transform_indices = #map1}]} {
    %mul3A = arith.constant 2 : i32
    %mul3A_0 = arith.muli %arg1, %mul3A : i32
    %add3A = arith.addi %mul3A_0, %arg0 : i32
    %jit3A = arith.constant 4 : i32
    %div3A = arith.divsi %add3A, %jit3A : i32
    %sign3A = arith.constant 0 : i32
    %sign3A_1 = arith.cmpi sgt, %add3A, %sign3A : i32
    %sign3A_2 = arith.extui %sign3A_1 : i1 to i32
    %sign3A_3 = arith.constant 0 : i32
    %sign3A_4 = arith.cmpi slt, %add3A, %sign3A_3 : i32
    %sign3A_5 = arith.extui %sign3A_4 : i1 to i32
    %sign3A_6 = arith.subi %sign3A_2, %sign3A_5 : i32
    %sign3A_7 = arith.constant 0 : i32
    %sign3A_8 = arith.cmpi sgt, %jit3A, %sign3A_7 : i32
    %sign3A_9 = arith.extui %sign3A_8 : i1 to i32
    %sign3A_10 = arith.constant 0 : i32
    %sign3A_11 = arith.cmpi slt, %jit3A, %sign3A_10 : i32
    %sign3A_12 = arith.extui %sign3A_11 : i1 to i32
    %sign3A_13 = arith.subi %sign3A_9, %sign3A_12 : i32
    %ne3A = arith.cmpi ne, %sign3A_6, %sign3A_13 : i32
    %rem3A = arith.remsi %add3A, %jit3A : i32
    %ne3A_14 = arith.constant 0 : i32
    %ne3A_15 = arith.cmpi ne, %rem3A, %ne3A_14 : i32
    %and3A = arith.andi %ne3A, %ne3A_15 : i1
    %sub3A = arith.constant 1 : i32
    %sub3A_16 = arith.subi %div3A, %sub3A : i32
    %select_n3A = arith.select %and3A, %sub3A_16, %div3A : i32
    %jit3A_17 = arith.constant 4 : i32
    %eq3A = arith.constant 0 : i32
    %eq3A_18 = arith.cmpi eq, %jit3A_17, %eq3A : i32
    %jit3A_19 = arith.constant 1 : i32
    %select_n3A_20 = arith.select %eq3A_18, %jit3A_19, %jit3A_17 : i32
    %rem3A_21 = arith.remsi %add3A, %select_n3A_20 : i32
    %ne3A_22 = arith.constant 0 : i32
    %ne3A_23 = arith.cmpi ne, %rem3A_21, %ne3A_22 : i32
    %lt3A = arith.constant 0 : i32
    %lt3A_24 = arith.cmpi slt, %rem3A_21, %lt3A : i32
    %lt3A_25 = arith.constant 0 : i32
    %lt3A_26 = arith.cmpi slt, %select_n3A_20, %lt3A_25 : i32
    %ne3A_27 = arith.xori %lt3A_24, %lt3A_26 : i1
    %and3A_28 = arith.andi %ne3A_27, %ne3A_23 : i1
    %add3A_29 = arith.addi %rem3A_21, %select_n3A_20 : i32
    %select_n3A_30 = arith.select %and3A_28, %add3A_29, %rem3A_21 : i32
    %mul3A_31 = arith.constant 4096 : i32
    %mul3A_32 = arith.muli %select_n3A_30, %mul3A_31 : i32
    %add3A_33 = arith.constant 0 : i32
    %add3A_34 = arith.addi %select_n3A, %add3A_33 : i32
    %dma_start3A = arith.constant 0 : i32
    %dma_start3A_35 = tpu.memref_slice %arg7[%dma_start3A] : memref<28672xi32, #tpu.memory_space<vmem>> -> memref<4096xi32, #tpu.memory_space<vmem>>
    %dma_start3A_36 = tpu.memref_slice %arg3[%add3A_34, %mul3A_32] : memref<50x16384xi32, #tpu.memory_space<hbm>> -> memref<1x4096xi32, #tpu.memory_space<hbm>>
    %dma_start3A_37 = tpu.memref_squeeze %dma_start3A_36 : memref<1x4096xi32, #tpu.memory_space<hbm>> -> memref<4096xi32, #tpu.memory_space<hbm>>
    %dma_start3A_38 = arith.constant 0 : i32
    %dma_start3A_39 = tpu.memref_slice %arg7[%dma_start3A_38] : memref<28672xi32, #tpu.memory_space<vmem>> -> memref<4096xi32, #tpu.memory_space<vmem>>
    %dma_start3A_40 = tpu.memref_slice %arg3[%add3A_34, %mul3A_32] : memref<50x16384xi32, #tpu.memory_space<hbm>> -> memref<1x4096xi32, #tpu.memory_space<hbm>>
    %dma_start3A_41 = tpu.memref_squeeze %dma_start3A_40 : memref<1x4096xi32, #tpu.memory_space<hbm>> -> memref<4096xi32, #tpu.memory_space<hbm>>
    tpu.enqueue_dma source(%dma_start3A_41 : memref<4096xi32, #tpu.memory_space<hbm>>) target(%dma_start3A_39 : memref<4096xi32, #tpu.memory_space<vmem>>) target_semaphore(%arg9 : memref<!tpu.dma_semaphore, #tpu.memory_space<semaphore_mem>>)
    %add3A_42 = arith.constant 8 : i32
    %add3A_43 = arith.addi %select_n3A, %add3A_42 : i32
    %dma_start3A_44 = arith.constant 4096 : i32
    %dma_start3A_45 = tpu.memref_slice %arg7[%dma_start3A_44] : memref<28672xi32, #tpu.memory_space<vmem>> -> memref<4096xi32, #tpu.memory_space<vmem>>
    %dma_start3A_46 = tpu.memref_slice %arg3[%add3A_43, %mul3A_32] : memref<50x16384xi32, #tpu.memory_space<hbm>> -> memref<1x4096xi32, #tpu.memory_space<hbm>>
    %dma_start3A_47 = tpu.memref_squeeze %dma_start3A_46 : memref<1x4096xi32, #tpu.memory_space<hbm>> -> memref<4096xi32, #tpu.memory_space<hbm>>
    %dma_start3A_48 = arith.constant 4096 : i32
    %dma_start3A_49 = tpu.memref_slice %arg7[%dma_start3A_48] : memref<28672xi32, #tpu.memory_space<vmem>> -> memref<4096xi32, #tpu.memory_space<vmem>>
    %dma_start3A_50 = tpu.memref_slice %arg3[%add3A_43, %mul3A_32] : memref<50x16384xi32, #tpu.memory_space<hbm>> -> memref<1x4096xi32, #tpu.memory_space<hbm>>
    %dma_start3A_51 = tpu.memref_squeeze %dma_start3A_50 : memref<1x4096xi32, #tpu.memory_space<hbm>> -> memref<4096xi32, #tpu.memory_space<hbm>>
    tpu.enqueue_dma source(%dma_start3A_51 : memref<4096xi32, #tpu.memory_space<hbm>>) target(%dma_start3A_49 : memref<4096xi32, #tpu.memory_space<vmem>>) target_semaphore(%arg9 : memref<!tpu.dma_semaphore, #tpu.memory_space<semaphore_mem>>)
    %add3A_52 = arith.constant 16 : i32
    %add3A_53 = arith.addi %select_n3A, %add3A_52 : i32
    %dma_start3A_54 = arith.constant 8192 : i32
    %dma_start3A_55 = tpu.memref_slice %arg7[%dma_start3A_54] : memref<28672xi32, #tpu.memory_space<vmem>> -> memref<4096xi32, #tpu.memory_space<vmem>>
    %dma_start3A_56 = tpu.memref_slice %arg3[%add3A_53, %mul3A_32] : memref<50x16384xi32, #tpu.memory_space<hbm>> -> memref<1x4096xi32, #tpu.memory_space<hbm>>
    %dma_start3A_57 = tpu.memref_squeeze %dma_start3A_56 : memref<1x4096xi32, #tpu.memory_space<hbm>> -> memref<4096xi32, #tpu.memory_space<hbm>>
    %dma_start3A_58 = arith.constant 8192 : i32
    %dma_start3A_59 = tpu.memref_slice %arg7[%dma_start3A_58] : memref<28672xi32, #tpu.memory_space<vmem>> -> memref<4096xi32, #tpu.memory_space<vmem>>
    %dma_start3A_60 = tpu.memref_slice %arg3[%add3A_53, %mul3A_32] : memref<50x16384xi32, #tpu.memory_space<hbm>> -> memref<1x4096xi32, #tpu.memory_space<hbm>>
    %dma_start3A_61 = tpu.memref_squeeze %dma_start3A_60 : memref<1x4096xi32, #tpu.memory_space<hbm>> -> memref<4096xi32, #tpu.memory_space<hbm>>
    tpu.enqueue_dma source(%dma_start3A_61 : memref<4096xi32, #tpu.memory_space<hbm>>) target(%dma_start3A_59 : memref<4096xi32, #tpu.memory_space<vmem>>) target_semaphore(%arg9 : memref<!tpu.dma_semaphore, #tpu.memory_space<semaphore_mem>>)
    %add3A_62 = arith.constant 24 : i32
    %add3A_63 = arith.addi %select_n3A, %add3A_62 : i32
    %dma_start3A_64 = arith.constant 12288 : i32
    %dma_start3A_65 = tpu.memref_slice %arg7[%dma_start3A_64] : memref<28672xi32, #tpu.memory_space<vmem>> -> memref<4096xi32, #tpu.memory_space<vmem>>
    %dma_start3A_66 = tpu.memref_slice %arg3[%add3A_63, %mul3A_32] : memref<50x16384xi32, #tpu.memory_space<hbm>> -> memref<1x4096xi32, #tpu.memory_space<hbm>>
    %dma_start3A_67 = tpu.memref_squeeze %dma_start3A_66 : memref<1x4096xi32, #tpu.memory_space<hbm>> -> memref<4096xi32, #tpu.memory_space<hbm>>
    %dma_start3A_68 = arith.constant 12288 : i32
    %dma_start3A_69 = tpu.memref_slice %arg7[%dma_start3A_68] : memref<28672xi32, #tpu.memory_space<vmem>> -> memref<4096xi32, #tpu.memory_space<vmem>>
    %dma_start3A_70 = tpu.memref_slice %arg3[%add3A_63, %mul3A_32] : memref<50x16384xi32, #tpu.memory_space<hbm>> -> memref<1x4096xi32, #tpu.memory_space<hbm>>
    %dma_start3A_71 = tpu.memref_squeeze %dma_start3A_70 : memref<1x4096xi32, #tpu.memory_space<hbm>> -> memref<4096xi32, #tpu.memory_space<hbm>>
    tpu.enqueue_dma source(%dma_start3A_71 : memref<4096xi32, #tpu.memory_space<hbm>>) target(%dma_start3A_69 : memref<4096xi32, #tpu.memory_space<vmem>>) target_semaphore(%arg9 : memref<!tpu.dma_semaphore, #tpu.memory_space<semaphore_mem>>)
    %add3A_72 = arith.constant 32 : i32
    %add3A_73 = arith.addi %select_n3A, %add3A_72 : i32
    %dma_start3A_74 = arith.constant 16384 : i32
    %dma_start3A_75 = tpu.memref_slice %arg7[%dma_start3A_74] : memref<28672xi32, #tpu.memory_space<vmem>> -> memref<4096xi32, #tpu.memory_space<vmem>>
    %dma_start3A_76 = tpu.memref_slice %arg3[%add3A_73, %mul3A_32] : memref<50x16384xi32, #tpu.memory_space<hbm>> -> memref<1x4096xi32, #tpu.memory_space<hbm>>
    %dma_start3A_77 = tpu.memref_squeeze %dma_start3A_76 : memref<1x4096xi32, #tpu.memory_space<hbm>> -> memref<4096xi32, #tpu.memory_space<hbm>>
    %dma_start3A_78 = arith.constant 16384 : i32
    %dma_start3A_79 = tpu.memref_slice %arg7[%dma_start3A_78] : memref<28672xi32, #tpu.memory_space<vmem>> -> memref<4096xi32, #tpu.memory_space<vmem>>
    %dma_start3A_80 = tpu.memref_slice %arg3[%add3A_73, %mul3A_32] : memref<50x16384xi32, #tpu.memory_space<hbm>> -> memref<1x4096xi32, #tpu.memory_space<hbm>>
    %dma_start3A_81 = tpu.memref_squeeze %dma_start3A_80 : memref<1x4096xi32, #tpu.memory_space<hbm>> -> memref<4096xi32, #tpu.memory_space<hbm>>
    tpu.enqueue_dma source(%dma_start3A_81 : memref<4096xi32, #tpu.memory_space<hbm>>) target(%dma_start3A_79 : memref<4096xi32, #tpu.memory_space<vmem>>) target_semaphore(%arg9 : memref<!tpu.dma_semaphore, #tpu.memory_space<semaphore_mem>>)
    %add3A_82 = arith.constant 40 : i32
    %add3A_83 = arith.addi %select_n3A, %add3A_82 : i32
    %dma_start3A_84 = arith.constant 20480 : i32
    %dma_start3A_85 = tpu.memref_slice %arg7[%dma_start3A_84] : memref<28672xi32, #tpu.memory_space<vmem>> -> memref<4096xi32, #tpu.memory_space<vmem>>
    %dma_start3A_86 = tpu.memref_slice %arg3[%add3A_83, %mul3A_32] : memref<50x16384xi32, #tpu.memory_space<hbm>> -> memref<1x4096xi32, #tpu.memory_space<hbm>>
    %dma_start3A_87 = tpu.memref_squeeze %dma_start3A_86 : memref<1x4096xi32, #tpu.memory_space<hbm>> -> memref<4096xi32, #tpu.memory_space<hbm>>
    %dma_start3A_88 = arith.constant 20480 : i32
    %dma_start3A_89 = tpu.memref_slice %arg7[%dma_start3A_88] : memref<28672xi32, #tpu.memory_space<vmem>> -> memref<4096xi32, #tpu.memory_space<vmem>>
    %dma_start3A_90 = tpu.memref_slice %arg3[%add3A_83, %mul3A_32] : memref<50x16384xi32, #tpu.memory_space<hbm>> -> memref<1x4096xi32, #tpu.memory_space<hbm>>
    %dma_start3A_91 = tpu.memref_squeeze %dma_start3A_90 : memref<1x4096xi32, #tpu.memory_space<hbm>> -> memref<4096xi32, #tpu.memory_space<hbm>>
    tpu.enqueue_dma source(%dma_start3A_91 : memref<4096xi32, #tpu.memory_space<hbm>>) target(%dma_start3A_89 : memref<4096xi32, #tpu.memory_space<vmem>>) target_semaphore(%arg9 : memref<!tpu.dma_semaphore, #tpu.memory_space<semaphore_mem>>)
    %lt3A_92 = arith.constant 8 : i32
    %lt3A_93 = arith.cmpi slt, %add3A, %lt3A_92 : i32
    %convert_element_type3A = arith.extui %lt3A_93 : i1 to i32
    %cond3A = arith.constant 0 : i32
    %cond3A_94 = arith.cmpi ne, %convert_element_type3A, %cond3A : i32
    scf.if %cond3A_94 {
      %add3A_338 = arith.constant 48 : i32
      %add3A_339 = arith.addi %select_n3A, %add3A_338 : i32
      %dma_start3A_340 = arith.constant 24576 : i32
      %dma_start3A_341 = tpu.memref_slice %arg7[%dma_start3A_340] : memref<28672xi32, #tpu.memory_space<vmem>> -> memref<4096xi32, #tpu.memory_space<vmem>>
      %dma_start3A_342 = tpu.memref_slice %arg3[%add3A_339, %mul3A_32] : memref<50x16384xi32, #tpu.memory_space<hbm>> -> memref<1x4096xi32, #tpu.memory_space<hbm>>
      %dma_start3A_343 = tpu.memref_squeeze %dma_start3A_342 : memref<1x4096xi32, #tpu.memory_space<hbm>> -> memref<4096xi32, #tpu.memory_space<hbm>>
      %dma_start3A_344 = arith.constant 24576 : i32
      %dma_start3A_345 = tpu.memref_slice %arg7[%dma_start3A_344] : memref<28672xi32, #tpu.memory_space<vmem>> -> memref<4096xi32, #tpu.memory_space<vmem>>
      %dma_start3A_346 = tpu.memref_slice %arg3[%add3A_339, %mul3A_32] : memref<50x16384xi32, #tpu.memory_space<hbm>> -> memref<1x4096xi32, #tpu.memory_space<hbm>>
      %dma_start3A_347 = tpu.memref_squeeze %dma_start3A_346 : memref<1x4096xi32, #tpu.memory_space<hbm>> -> memref<4096xi32, #tpu.memory_space<hbm>>
      tpu.enqueue_dma source(%dma_start3A_347 : memref<4096xi32, #tpu.memory_space<hbm>>) target(%dma_start3A_345 : memref<4096xi32, #tpu.memory_space<vmem>>) target_semaphore(%arg9 : memref<!tpu.dma_semaphore, #tpu.memory_space<semaphore_mem>>)
    } else {
    }
    %add3A_95 = arith.constant 0 : i32
    %add3A_96 = arith.addi %add3A_95, %arg1 : i32
    %lt3A_97 = arith.constant 100 : i32
    %lt3A_98 = arith.cmpi slt, %add3A_96, %lt3A_97 : i32
    %convert_element_type3A_99 = arith.extui %lt3A_98 : i1 to i32
    %cond3A_100 = arith.constant 0 : i32
    %cond3A_101 = arith.cmpi ne, %convert_element_type3A_99, %cond3A_100 : i32
    scf.if %cond3A_101 {
      %mul3A_338 = arith.constant 10000 : i32
      %mul3A_339 = arith.muli %add3A_96, %mul3A_338 : i32
      "tpu.region"() ({
        %run_scoped3A = tpu.sem_alloc : memref<!tpu.dma_semaphore, #tpu.memory_space<semaphore_mem>>
        %dma_start3A_340 = tpu.memref_slice %arg2[%mul3A_339] : memref<1000000xf32, #tpu.memory_space<hbm>> -> memref<10000xf32, #tpu.memory_space<hbm>>
        %dma_start3A_341 = tpu.memref_slice %arg2[%mul3A_339] : memref<1000000xf32, #tpu.memory_space<hbm>> -> memref<10000xf32, #tpu.memory_space<hbm>>
        tpu.enqueue_dma source(%dma_start3A_341 : memref<10000xf32, #tpu.memory_space<hbm>>) target(%arg6 : memref<10000xf32, #tpu.memory_space<vmem>>) target_semaphore(%run_scoped3A : memref<!tpu.dma_semaphore, #tpu.memory_space<semaphore_mem>>)
        %dma_wait3A_342 = tpu.memref_slice %arg2[%mul3A_339] : memref<1000000xf32, #tpu.memory_space<hbm>> -> memref<10000xf32, #tpu.memory_space<hbm>>
        %dma_wait3A_343 = tpu.memref_slice %arg2[%mul3A_339] : memref<1000000xf32, #tpu.memory_space<hbm>> -> memref<10000xf32, #tpu.memory_space<hbm>>
        tpu.wait_dma2 semaphore(%run_scoped3A : memref<!tpu.dma_semaphore, #tpu.memory_space<semaphore_mem>>) src(%dma_wait3A_343 : memref<10000xf32, #tpu.memory_space<hbm>>) dst(%arg6 : memref<10000xf32, #tpu.memory_space<vmem>>)
        tpu.yield
      }) : () -> ()
      "tpu.region"() ({
        %run_scoped3A = tpu.sem_alloc : memref<!tpu.dma_semaphore, #tpu.memory_space<semaphore_mem>>
        %dma_start3A_340 = tpu.memref_slice %arg5[%mul3A_339] : memref<1000000xf32, #tpu.memory_space<vmem_shared>> -> memref<10000xf32, #tpu.memory_space<vmem_shared>>
        %dma_start3A_341 = tpu.memref_slice %arg5[%mul3A_339] : memref<1000000xf32, #tpu.memory_space<vmem_shared>> -> memref<10000xf32, #tpu.memory_space<vmem_shared>>
        tpu.enqueue_dma source(%arg6 : memref<10000xf32, #tpu.memory_space<vmem>>) target(%dma_start3A_341 : memref<10000xf32, #tpu.memory_space<vmem_shared>>) target_semaphore(%run_scoped3A : memref<!tpu.dma_semaphore, #tpu.memory_space<semaphore_mem>>)
        %dma_wait3A_342 = tpu.memref_slice %arg5[%mul3A_339] : memref<1000000xf32, #tpu.memory_space<vmem_shared>> -> memref<10000xf32, #tpu.memory_space<vmem_shared>>
        %dma_wait3A_343 = tpu.memref_slice %arg5[%mul3A_339] : memref<1000000xf32, #tpu.memory_space<vmem_shared>> -> memref<10000xf32, #tpu.memory_space<vmem_shared>>
        tpu.wait_dma2 semaphore(%run_scoped3A : memref<!tpu.dma_semaphore, #tpu.memory_space<semaphore_mem>>) src(%arg6 : memref<10000xf32, #tpu.memory_space<vmem>>) dst(%dma_wait3A_343 : memref<10000xf32, #tpu.memory_space<vmem_shared>>)
        tpu.yield
      }) : () -> ()
    } else {
    }
    %add3A_102 = arith.constant 16 : i32
    %add3A_103 = arith.addi %add3A_102, %arg1 : i32
    %lt3A_104 = arith.constant 100 : i32
    %lt3A_105 = arith.cmpi slt, %add3A_103, %lt3A_104 : i32
    %convert_element_type3A_106 = arith.extui %lt3A_105 : i1 to i32
    %cond3A_107 = arith.constant 0 : i32
    %cond3A_108 = arith.cmpi ne, %convert_element_type3A_106, %cond3A_107 : i32
    scf.if %cond3A_108 {
      %mul3A_338 = arith.constant 10000 : i32
      %mul3A_339 = arith.muli %add3A_103, %mul3A_338 : i32
      "tpu.region"() ({
        %run_scoped3A = tpu.sem_alloc : memref<!tpu.dma_semaphore, #tpu.memory_space<semaphore_mem>>
        %dma_start3A_340 = tpu.memref_slice %arg2[%mul3A_339] : memref<1000000xf32, #tpu.memory_space<hbm>> -> memref<10000xf32, #tpu.memory_space<hbm>>
        %dma_start3A_341 = tpu.memref_slice %arg2[%mul3A_339] : memref<1000000xf32, #tpu.memory_space<hbm>> -> memref<10000xf32, #tpu.memory_space<hbm>>
        tpu.enqueue_dma source(%dma_start3A_341 : memref<10000xf32, #tpu.memory_space<hbm>>) target(%arg6 : memref<10000xf32, #tpu.memory_space<vmem>>) target_semaphore(%run_scoped3A : memref<!tpu.dma_semaphore, #tpu.memory_space<semaphore_mem>>)
        %dma_wait3A_342 = tpu.memref_slice %arg2[%mul3A_339] : memref<1000000xf32, #tpu.memory_space<hbm>> -> memref<10000xf32, #tpu.memory_space<hbm>>
        %dma_wait3A_343 = tpu.memref_slice %arg2[%mul3A_339] : memref<1000000xf32, #tpu.memory_space<hbm>> -> memref<10000xf32, #tpu.memory_space<hbm>>
        tpu.wait_dma2 semaphore(%run_scoped3A : memref<!tpu.dma_semaphore, #tpu.memory_space<semaphore_mem>>) src(%dma_wait3A_343 : memref<10000xf32, #tpu.memory_space<hbm>>) dst(%arg6 : memref<10000xf32, #tpu.memory_space<vmem>>)
        tpu.yield
      }) : () -> ()
      "tpu.region"() ({
        %run_scoped3A = tpu.sem_alloc : memref<!tpu.dma_semaphore, #tpu.memory_space<semaphore_mem>>
        %dma_start3A_340 = tpu.memref_slice %arg5[%mul3A_339] : memref<1000000xf32, #tpu.memory_space<vmem_shared>> -> memref<10000xf32, #tpu.memory_space<vmem_shared>>
        %dma_start3A_341 = tpu.memref_slice %arg5[%mul3A_339] : memref<1000000xf32, #tpu.memory_space<vmem_shared>> -> memref<10000xf32, #tpu.memory_space<vmem_shared>>
        tpu.enqueue_dma source(%arg6 : memref<10000xf32, #tpu.memory_space<vmem>>) target(%dma_start3A_341 : memref<10000xf32, #tpu.memory_space<vmem_shared>>) target_semaphore(%run_scoped3A : memref<!tpu.dma_semaphore, #tpu.memory_space<semaphore_mem>>)
        %dma_wait3A_342 = tpu.memref_slice %arg5[%mul3A_339] : memref<1000000xf32, #tpu.memory_space<vmem_shared>> -> memref<10000xf32, #tpu.memory_space<vmem_shared>>
        %dma_wait3A_343 = tpu.memref_slice %arg5[%mul3A_339] : memref<1000000xf32, #tpu.memory_space<vmem_shared>> -> memref<10000xf32, #tpu.memory_space<vmem_shared>>
        tpu.wait_dma2 semaphore(%run_scoped3A : memref<!tpu.dma_semaphore, #tpu.memory_space<semaphore_mem>>) src(%arg6 : memref<10000xf32, #tpu.memory_space<vmem>>) dst(%dma_wait3A_343 : memref<10000xf32, #tpu.memory_space<vmem_shared>>)
        tpu.yield
      }) : () -> ()
    } else {
    }
    %add3A_109 = arith.constant 32 : i32
    %add3A_110 = arith.addi %add3A_109, %arg1 : i32
    %lt3A_111 = arith.constant 100 : i32
    %lt3A_112 = arith.cmpi slt, %add3A_110, %lt3A_111 : i32
    %convert_element_type3A_113 = arith.extui %lt3A_112 : i1 to i32
    %cond3A_114 = arith.constant 0 : i32
    %cond3A_115 = arith.cmpi ne, %convert_element_type3A_113, %cond3A_114 : i32
    scf.if %cond3A_115 {
      %mul3A_338 = arith.constant 10000 : i32
      %mul3A_339 = arith.muli %add3A_110, %mul3A_338 : i32
      "tpu.region"() ({
        %run_scoped3A = tpu.sem_alloc : memref<!tpu.dma_semaphore, #tpu.memory_space<semaphore_mem>>
        %dma_start3A_340 = tpu.memref_slice %arg2[%mul3A_339] : memref<1000000xf32, #tpu.memory_space<hbm>> -> memref<10000xf32, #tpu.memory_space<hbm>>
        %dma_start3A_341 = tpu.memref_slice %arg2[%mul3A_339] : memref<1000000xf32, #tpu.memory_space<hbm>> -> memref<10000xf32, #tpu.memory_space<hbm>>
        tpu.enqueue_dma source(%dma_start3A_341 : memref<10000xf32, #tpu.memory_space<hbm>>) target(%arg6 : memref<10000xf32, #tpu.memory_space<vmem>>) target_semaphore(%run_scoped3A : memref<!tpu.dma_semaphore, #tpu.memory_space<semaphore_mem>>)
        %dma_wait3A_342 = tpu.memref_slice %arg2[%mul3A_339] : memref<1000000xf32, #tpu.memory_space<hbm>> -> memref<10000xf32, #tpu.memory_space<hbm>>
        %dma_wait3A_343 = tpu.memref_slice %arg2[%mul3A_339] : memref<1000000xf32, #tpu.memory_space<hbm>> -> memref<10000xf32, #tpu.memory_space<hbm>>
        tpu.wait_dma2 semaphore(%run_scoped3A : memref<!tpu.dma_semaphore, #tpu.memory_space<semaphore_mem>>) src(%dma_wait3A_343 : memref<10000xf32, #tpu.memory_space<hbm>>) dst(%arg6 : memref<10000xf32, #tpu.memory_space<vmem>>)
        tpu.yield
      }) : () -> ()
      "tpu.region"() ({
        %run_scoped3A = tpu.sem_alloc : memref<!tpu.dma_semaphore, #tpu.memory_space<semaphore_mem>>
        %dma_start3A_340 = tpu.memref_slice %arg5[%mul3A_339] : memref<1000000xf32, #tpu.memory_space<vmem_shared>> -> memref<10000xf32, #tpu.memory_space<vmem_shared>>
        %dma_start3A_341 = tpu.memref_slice %arg5[%mul3A_339] : memref<1000000xf32, #tpu.memory_space<vmem_shared>> -> memref<10000xf32, #tpu.memory_space<vmem_shared>>
        tpu.enqueue_dma source(%arg6 : memref<10000xf32, #tpu.memory_space<vmem>>) target(%dma_start3A_341 : memref<10000xf32, #tpu.memory_space<vmem_shared>>) target_semaphore(%run_scoped3A : memref<!tpu.dma_semaphore, #tpu.memory_space<semaphore_mem>>)
        %dma_wait3A_342 = tpu.memref_slice %arg5[%mul3A_339] : memref<1000000xf32, #tpu.memory_space<vmem_shared>> -> memref<10000xf32, #tpu.memory_space<vmem_shared>>
        %dma_wait3A_343 = tpu.memref_slice %arg5[%mul3A_339] : memref<1000000xf32, #tpu.memory_space<vmem_shared>> -> memref<10000xf32, #tpu.memory_space<vmem_shared>>
        tpu.wait_dma2 semaphore(%run_scoped3A : memref<!tpu.dma_semaphore, #tpu.memory_space<semaphore_mem>>) src(%arg6 : memref<10000xf32, #tpu.memory_space<vmem>>) dst(%dma_wait3A_343 : memref<10000xf32, #tpu.memory_space<vmem_shared>>)
        tpu.yield
      }) : () -> ()
    } else {
    }
    %add3A_116 = arith.constant 48 : i32
    %add3A_117 = arith.addi %add3A_116, %arg1 : i32
    %lt3A_118 = arith.constant 100 : i32
    %lt3A_119 = arith.cmpi slt, %add3A_117, %lt3A_118 : i32
    %convert_element_type3A_120 = arith.extui %lt3A_119 : i1 to i32
    %cond3A_121 = arith.constant 0 : i32
    %cond3A_122 = arith.cmpi ne, %convert_element_type3A_120, %cond3A_121 : i32
    scf.if %cond3A_122 {
      %mul3A_338 = arith.constant 10000 : i32
      %mul3A_339 = arith.muli %add3A_117, %mul3A_338 : i32
      "tpu.region"() ({
        %run_scoped3A = tpu.sem_alloc : memref<!tpu.dma_semaphore, #tpu.memory_space<semaphore_mem>>
        %dma_start3A_340 = tpu.memref_slice %arg2[%mul3A_339] : memref<1000000xf32, #tpu.memory_space<hbm>> -> memref<10000xf32, #tpu.memory_space<hbm>>
        %dma_start3A_341 = tpu.memref_slice %arg2[%mul3A_339] : memref<1000000xf32, #tpu.memory_space<hbm>> -> memref<10000xf32, #tpu.memory_space<hbm>>
        tpu.enqueue_dma source(%dma_start3A_341 : memref<10000xf32, #tpu.memory_space<hbm>>) target(%arg6 : memref<10000xf32, #tpu.memory_space<vmem>>) target_semaphore(%run_scoped3A : memref<!tpu.dma_semaphore, #tpu.memory_space<semaphore_mem>>)
        %dma_wait3A_342 = tpu.memref_slice %arg2[%mul3A_339] : memref<1000000xf32, #tpu.memory_space<hbm>> -> memref<10000xf32, #tpu.memory_space<hbm>>
        %dma_wait3A_343 = tpu.memref_slice %arg2[%mul3A_339] : memref<1000000xf32, #tpu.memory_space<hbm>> -> memref<10000xf32, #tpu.memory_space<hbm>>
        tpu.wait_dma2 semaphore(%run_scoped3A : memref<!tpu.dma_semaphore, #tpu.memory_space<semaphore_mem>>) src(%dma_wait3A_343 : memref<10000xf32, #tpu.memory_space<hbm>>) dst(%arg6 : memref<10000xf32, #tpu.memory_space<vmem>>)
        tpu.yield
      }) : () -> ()
      "tpu.region"() ({
        %run_scoped3A = tpu.sem_alloc : memref<!tpu.dma_semaphore, #tpu.memory_space<semaphore_mem>>
        %dma_start3A_340 = tpu.memref_slice %arg5[%mul3A_339] : memref<1000000xf32, #tpu.memory_space<vmem_shared>> -> memref<10000xf32, #tpu.memory_space<vmem_shared>>
        %dma_start3A_341 = tpu.memref_slice %arg5[%mul3A_339] : memref<1000000xf32, #tpu.memory_space<vmem_shared>> -> memref<10000xf32, #tpu.memory_space<vmem_shared>>
        tpu.enqueue_dma source(%arg6 : memref<10000xf32, #tpu.memory_space<vmem>>) target(%dma_start3A_341 : memref<10000xf32, #tpu.memory_space<vmem_shared>>) target_semaphore(%run_scoped3A : memref<!tpu.dma_semaphore, #tpu.memory_space<semaphore_mem>>)
        %dma_wait3A_342 = tpu.memref_slice %arg5[%mul3A_339] : memref<1000000xf32, #tpu.memory_space<vmem_shared>> -> memref<10000xf32, #tpu.memory_space<vmem_shared>>
        %dma_wait3A_343 = tpu.memref_slice %arg5[%mul3A_339] : memref<1000000xf32, #tpu.memory_space<vmem_shared>> -> memref<10000xf32, #tpu.memory_space<vmem_shared>>
        tpu.wait_dma2 semaphore(%run_scoped3A : memref<!tpu.dma_semaphore, #tpu.memory_space<semaphore_mem>>) src(%arg6 : memref<10000xf32, #tpu.memory_space<vmem>>) dst(%dma_wait3A_343 : memref<10000xf32, #tpu.memory_space<vmem_shared>>)
        tpu.yield
      }) : () -> ()
    } else {
    }
    %add3A_123 = arith.constant 64 : i32
    %add3A_124 = arith.addi %add3A_123, %arg1 : i32
    %lt3A_125 = arith.constant 100 : i32
    %lt3A_126 = arith.cmpi slt, %add3A_124, %lt3A_125 : i32
    %convert_element_type3A_127 = arith.extui %lt3A_126 : i1 to i32
    %cond3A_128 = arith.constant 0 : i32
    %cond3A_129 = arith.cmpi ne, %convert_element_type3A_127, %cond3A_128 : i32
    scf.if %cond3A_129 {
      %mul3A_338 = arith.constant 10000 : i32
      %mul3A_339 = arith.muli %add3A_124, %mul3A_338 : i32
      "tpu.region"() ({
        %run_scoped3A = tpu.sem_alloc : memref<!tpu.dma_semaphore, #tpu.memory_space<semaphore_mem>>
        %dma_start3A_340 = tpu.memref_slice %arg2[%mul3A_339] : memref<1000000xf32, #tpu.memory_space<hbm>> -> memref<10000xf32, #tpu.memory_space<hbm>>
        %dma_start3A_341 = tpu.memref_slice %arg2[%mul3A_339] : memref<1000000xf32, #tpu.memory_space<hbm>> -> memref<10000xf32, #tpu.memory_space<hbm>>
        tpu.enqueue_dma source(%dma_start3A_341 : memref<10000xf32, #tpu.memory_space<hbm>>) target(%arg6 : memref<10000xf32, #tpu.memory_space<vmem>>) target_semaphore(%run_scoped3A : memref<!tpu.dma_semaphore, #tpu.memory_space<semaphore_mem>>)
        %dma_wait3A_342 = tpu.memref_slice %arg2[%mul3A_339] : memref<1000000xf32, #tpu.memory_space<hbm>> -> memref<10000xf32, #tpu.memory_space<hbm>>
        %dma_wait3A_343 = tpu.memref_slice %arg2[%mul3A_339] : memref<1000000xf32, #tpu.memory_space<hbm>> -> memref<10000xf32, #tpu.memory_space<hbm>>
        tpu.wait_dma2 semaphore(%run_scoped3A : memref<!tpu.dma_semaphore, #tpu.memory_space<semaphore_mem>>) src(%dma_wait3A_343 : memref<10000xf32, #tpu.memory_space<hbm>>) dst(%arg6 : memref<10000xf32, #tpu.memory_space<vmem>>)
        tpu.yield
      }) : () -> ()
      "tpu.region"() ({
        %run_scoped3A = tpu.sem_alloc : memref<!tpu.dma_semaphore, #tpu.memory_space<semaphore_mem>>
        %dma_start3A_340 = tpu.memref_slice %arg5[%mul3A_339] : memref<1000000xf32, #tpu.memory_space<vmem_shared>> -> memref<10000xf32, #tpu.memory_space<vmem_shared>>
        %dma_start3A_341 = tpu.memref_slice %arg5[%mul3A_339] : memref<1000000xf32, #tpu.memory_space<vmem_shared>> -> memref<10000xf32, #tpu.memory_space<vmem_shared>>
        tpu.enqueue_dma source(%arg6 : memref<10000xf32, #tpu.memory_space<vmem>>) target(%dma_start3A_341 : memref<10000xf32, #tpu.memory_space<vmem_shared>>) target_semaphore(%run_scoped3A : memref<!tpu.dma_semaphore, #tpu.memory_space<semaphore_mem>>)
        %dma_wait3A_342 = tpu.memref_slice %arg5[%mul3A_339] : memref<1000000xf32, #tpu.memory_space<vmem_shared>> -> memref<10000xf32, #tpu.memory_space<vmem_shared>>
        %dma_wait3A_343 = tpu.memref_slice %arg5[%mul3A_339] : memref<1000000xf32, #tpu.memory_space<vmem_shared>> -> memref<10000xf32, #tpu.memory_space<vmem_shared>>
        tpu.wait_dma2 semaphore(%run_scoped3A : memref<!tpu.dma_semaphore, #tpu.memory_space<semaphore_mem>>) src(%arg6 : memref<10000xf32, #tpu.memory_space<vmem>>) dst(%dma_wait3A_343 : memref<10000xf32, #tpu.memory_space<vmem_shared>>)
        tpu.yield
      }) : () -> ()
    } else {
    }
    %add3A_130 = arith.constant 80 : i32
    %add3A_131 = arith.addi %add3A_130, %arg1 : i32
    %lt3A_132 = arith.constant 100 : i32
    %lt3A_133 = arith.cmpi slt, %add3A_131, %lt3A_132 : i32
    %convert_element_type3A_134 = arith.extui %lt3A_133 : i1 to i32
    %cond3A_135 = arith.constant 0 : i32
    %cond3A_136 = arith.cmpi ne, %convert_element_type3A_134, %cond3A_135 : i32
    scf.if %cond3A_136 {
      %mul3A_338 = arith.constant 10000 : i32
      %mul3A_339 = arith.muli %add3A_131, %mul3A_338 : i32
      "tpu.region"() ({
        %run_scoped3A = tpu.sem_alloc : memref<!tpu.dma_semaphore, #tpu.memory_space<semaphore_mem>>
        %dma_start3A_340 = tpu.memref_slice %arg2[%mul3A_339] : memref<1000000xf32, #tpu.memory_space<hbm>> -> memref<10000xf32, #tpu.memory_space<hbm>>
        %dma_start3A_341 = tpu.memref_slice %arg2[%mul3A_339] : memref<1000000xf32, #tpu.memory_space<hbm>> -> memref<10000xf32, #tpu.memory_space<hbm>>
        tpu.enqueue_dma source(%dma_start3A_341 : memref<10000xf32, #tpu.memory_space<hbm>>) target(%arg6 : memref<10000xf32, #tpu.memory_space<vmem>>) target_semaphore(%run_scoped3A : memref<!tpu.dma_semaphore, #tpu.memory_space<semaphore_mem>>)
        %dma_wait3A_342 = tpu.memref_slice %arg2[%mul3A_339] : memref<1000000xf32, #tpu.memory_space<hbm>> -> memref<10000xf32, #tpu.memory_space<hbm>>
        %dma_wait3A_343 = tpu.memref_slice %arg2[%mul3A_339] : memref<1000000xf32, #tpu.memory_space<hbm>> -> memref<10000xf32, #tpu.memory_space<hbm>>
        tpu.wait_dma2 semaphore(%run_scoped3A : memref<!tpu.dma_semaphore, #tpu.memory_space<semaphore_mem>>) src(%dma_wait3A_343 : memref<10000xf32, #tpu.memory_space<hbm>>) dst(%arg6 : memref<10000xf32, #tpu.memory_space<vmem>>)
        tpu.yield
      }) : () -> ()
      "tpu.region"() ({
        %run_scoped3A = tpu.sem_alloc : memref<!tpu.dma_semaphore, #tpu.memory_space<semaphore_mem>>
        %dma_start3A_340 = tpu.memref_slice %arg5[%mul3A_339] : memref<1000000xf32, #tpu.memory_space<vmem_shared>> -> memref<10000xf32, #tpu.memory_space<vmem_shared>>
        %dma_start3A_341 = tpu.memref_slice %arg5[%mul3A_339] : memref<1000000xf32, #tpu.memory_space<vmem_shared>> -> memref<10000xf32, #tpu.memory_space<vmem_shared>>
        tpu.enqueue_dma source(%arg6 : memref<10000xf32, #tpu.memory_space<vmem>>) target(%dma_start3A_341 : memref<10000xf32, #tpu.memory_space<vmem_shared>>) target_semaphore(%run_scoped3A : memref<!tpu.dma_semaphore, #tpu.memory_space<semaphore_mem>>)
        %dma_wait3A_342 = tpu.memref_slice %arg5[%mul3A_339] : memref<1000000xf32, #tpu.memory_space<vmem_shared>> -> memref<10000xf32, #tpu.memory_space<vmem_shared>>
        %dma_wait3A_343 = tpu.memref_slice %arg5[%mul3A_339] : memref<1000000xf32, #tpu.memory_space<vmem_shared>> -> memref<10000xf32, #tpu.memory_space<vmem_shared>>
        tpu.wait_dma2 semaphore(%run_scoped3A : memref<!tpu.dma_semaphore, #tpu.memory_space<semaphore_mem>>) src(%arg6 : memref<10000xf32, #tpu.memory_space<vmem>>) dst(%dma_wait3A_343 : memref<10000xf32, #tpu.memory_space<vmem_shared>>)
        tpu.yield
      }) : () -> ()
    } else {
    }
    %add3A_137 = arith.constant 96 : i32
    %add3A_138 = arith.addi %add3A_137, %arg1 : i32
    %lt3A_139 = arith.constant 100 : i32
    %lt3A_140 = arith.cmpi slt, %add3A_138, %lt3A_139 : i32
    %convert_element_type3A_141 = arith.extui %lt3A_140 : i1 to i32
    %cond3A_142 = arith.constant 0 : i32
    %cond3A_143 = arith.cmpi ne, %convert_element_type3A_141, %cond3A_142 : i32
    scf.if %cond3A_143 {
      %mul3A_338 = arith.constant 10000 : i32
      %mul3A_339 = arith.muli %add3A_138, %mul3A_338 : i32
      "tpu.region"() ({
        %run_scoped3A = tpu.sem_alloc : memref<!tpu.dma_semaphore, #tpu.memory_space<semaphore_mem>>
        %dma_start3A_340 = tpu.memref_slice %arg2[%mul3A_339] : memref<1000000xf32, #tpu.memory_space<hbm>> -> memref<10000xf32, #tpu.memory_space<hbm>>
        %dma_start3A_341 = tpu.memref_slice %arg2[%mul3A_339] : memref<1000000xf32, #tpu.memory_space<hbm>> -> memref<10000xf32, #tpu.memory_space<hbm>>
        tpu.enqueue_dma source(%dma_start3A_341 : memref<10000xf32, #tpu.memory_space<hbm>>) target(%arg6 : memref<10000xf32, #tpu.memory_space<vmem>>) target_semaphore(%run_scoped3A : memref<!tpu.dma_semaphore, #tpu.memory_space<semaphore_mem>>)
        %dma_wait3A_342 = tpu.memref_slice %arg2[%mul3A_339] : memref<1000000xf32, #tpu.memory_space<hbm>> -> memref<10000xf32, #tpu.memory_space<hbm>>
        %dma_wait3A_343 = tpu.memref_slice %arg2[%mul3A_339] : memref<1000000xf32, #tpu.memory_space<hbm>> -> memref<10000xf32, #tpu.memory_space<hbm>>
        tpu.wait_dma2 semaphore(%run_scoped3A : memref<!tpu.dma_semaphore, #tpu.memory_space<semaphore_mem>>) src(%dma_wait3A_343 : memref<10000xf32, #tpu.memory_space<hbm>>) dst(%arg6 : memref<10000xf32, #tpu.memory_space<vmem>>)
        tpu.yield
      }) : () -> ()
      "tpu.region"() ({
        %run_scoped3A = tpu.sem_alloc : memref<!tpu.dma_semaphore, #tpu.memory_space<semaphore_mem>>
        %dma_start3A_340 = tpu.memref_slice %arg5[%mul3A_339] : memref<1000000xf32, #tpu.memory_space<vmem_shared>> -> memref<10000xf32, #tpu.memory_space<vmem_shared>>
        %dma_start3A_341 = tpu.memref_slice %arg5[%mul3A_339] : memref<1000000xf32, #tpu.memory_space<vmem_shared>> -> memref<10000xf32, #tpu.memory_space<vmem_shared>>
        tpu.enqueue_dma source(%arg6 : memref<10000xf32, #tpu.memory_space<vmem>>) target(%dma_start3A_341 : memref<10000xf32, #tpu.memory_space<vmem_shared>>) target_semaphore(%run_scoped3A : memref<!tpu.dma_semaphore, #tpu.memory_space<semaphore_mem>>)
        %dma_wait3A_342 = tpu.memref_slice %arg5[%mul3A_339] : memref<1000000xf32, #tpu.memory_space<vmem_shared>> -> memref<10000xf32, #tpu.memory_space<vmem_shared>>
        %dma_wait3A_343 = tpu.memref_slice %arg5[%mul3A_339] : memref<1000000xf32, #tpu.memory_space<vmem_shared>> -> memref<10000xf32, #tpu.memory_space<vmem_shared>>
        tpu.wait_dma2 semaphore(%run_scoped3A : memref<!tpu.dma_semaphore, #tpu.memory_space<semaphore_mem>>) src(%arg6 : memref<10000xf32, #tpu.memory_space<vmem>>) dst(%dma_wait3A_343 : memref<10000xf32, #tpu.memory_space<vmem_shared>>)
        tpu.yield
      }) : () -> ()
    } else {
    }
    %dma_wait3A = arith.constant 0 : i32
    %dma_wait3A_144 = tpu.memref_slice %arg7[%dma_wait3A] : memref<28672xi32, #tpu.memory_space<vmem>> -> memref<4096xi32, #tpu.memory_space<vmem>>
    %dma_wait3A_145 = tpu.memref_slice %arg3[%add3A_34, %mul3A_32] : memref<50x16384xi32, #tpu.memory_space<hbm>> -> memref<1x4096xi32, #tpu.memory_space<hbm>>
    %dma_wait3A_146 = tpu.memref_squeeze %dma_wait3A_145 : memref<1x4096xi32, #tpu.memory_space<hbm>> -> memref<4096xi32, #tpu.memory_space<hbm>>
    %dma_wait3A_147 = arith.constant 0 : i32
    %dma_wait3A_148 = tpu.memref_slice %arg7[%dma_wait3A_147] : memref<28672xi32, #tpu.memory_space<vmem>> -> memref<4096xi32, #tpu.memory_space<vmem>>
    %dma_wait3A_149 = tpu.memref_slice %arg3[%add3A_34, %mul3A_32] : memref<50x16384xi32, #tpu.memory_space<hbm>> -> memref<1x4096xi32, #tpu.memory_space<hbm>>
    %dma_wait3A_150 = tpu.memref_squeeze %dma_wait3A_149 : memref<1x4096xi32, #tpu.memory_space<hbm>> -> memref<4096xi32, #tpu.memory_space<hbm>>
    tpu.wait_dma2 semaphore(%arg9 : memref<!tpu.dma_semaphore, #tpu.memory_space<semaphore_mem>>) src(%dma_wait3A_150 : memref<4096xi32, #tpu.memory_space<hbm>>) dst(%dma_wait3A_148 : memref<4096xi32, #tpu.memory_space<vmem>>)
    %dma_wait3A_151 = arith.constant 4096 : i32
    %dma_wait3A_152 = tpu.memref_slice %arg7[%dma_wait3A_151] : memref<28672xi32, #tpu.memory_space<vmem>> -> memref<4096xi32, #tpu.memory_space<vmem>>
    %dma_wait3A_153 = tpu.memref_slice %arg3[%add3A_43, %mul3A_32] : memref<50x16384xi32, #tpu.memory_space<hbm>> -> memref<1x4096xi32, #tpu.memory_space<hbm>>
    %dma_wait3A_154 = tpu.memref_squeeze %dma_wait3A_153 : memref<1x4096xi32, #tpu.memory_space<hbm>> -> memref<4096xi32, #tpu.memory_space<hbm>>
    %dma_wait3A_155 = arith.constant 4096 : i32
    %dma_wait3A_156 = tpu.memref_slice %arg7[%dma_wait3A_155] : memref<28672xi32, #tpu.memory_space<vmem>> -> memref<4096xi32, #tpu.memory_space<vmem>>
    %dma_wait3A_157 = tpu.memref_slice %arg3[%add3A_43, %mul3A_32] : memref<50x16384xi32, #tpu.memory_space<hbm>> -> memref<1x4096xi32, #tpu.memory_space<hbm>>
    %dma_wait3A_158 = tpu.memref_squeeze %dma_wait3A_157 : memref<1x4096xi32, #tpu.memory_space<hbm>> -> memref<4096xi32, #tpu.memory_space<hbm>>
    tpu.wait_dma2 semaphore(%arg9 : memref<!tpu.dma_semaphore, #tpu.memory_space<semaphore_mem>>) src(%dma_wait3A_158 : memref<4096xi32, #tpu.memory_space<hbm>>) dst(%dma_wait3A_156 : memref<4096xi32, #tpu.memory_space<vmem>>)
    %dma_wait3A_159 = arith.constant 8192 : i32
    %dma_wait3A_160 = tpu.memref_slice %arg7[%dma_wait3A_159] : memref<28672xi32, #tpu.memory_space<vmem>> -> memref<4096xi32, #tpu.memory_space<vmem>>
    %dma_wait3A_161 = tpu.memref_slice %arg3[%add3A_53, %mul3A_32] : memref<50x16384xi32, #tpu.memory_space<hbm>> -> memref<1x4096xi32, #tpu.memory_space<hbm>>
    %dma_wait3A_162 = tpu.memref_squeeze %dma_wait3A_161 : memref<1x4096xi32, #tpu.memory_space<hbm>> -> memref<4096xi32, #tpu.memory_space<hbm>>
    %dma_wait3A_163 = arith.constant 8192 : i32
    %dma_wait3A_164 = tpu.memref_slice %arg7[%dma_wait3A_163] : memref<28672xi32, #tpu.memory_space<vmem>> -> memref<4096xi32, #tpu.memory_space<vmem>>
    %dma_wait3A_165 = tpu.memref_slice %arg3[%add3A_53, %mul3A_32] : memref<50x16384xi32, #tpu.memory_space<hbm>> -> memref<1x4096xi32, #tpu.memory_space<hbm>>
    %dma_wait3A_166 = tpu.memref_squeeze %dma_wait3A_165 : memref<1x4096xi32, #tpu.memory_space<hbm>> -> memref<4096xi32, #tpu.memory_space<hbm>>
    tpu.wait_dma2 semaphore(%arg9 : memref<!tpu.dma_semaphore, #tpu.memory_space<semaphore_mem>>) src(%dma_wait3A_166 : memref<4096xi32, #tpu.memory_space<hbm>>) dst(%dma_wait3A_164 : memref<4096xi32, #tpu.memory_space<vmem>>)
    %dma_wait3A_167 = arith.constant 12288 : i32
    %dma_wait3A_168 = tpu.memref_slice %arg7[%dma_wait3A_167] : memref<28672xi32, #tpu.memory_space<vmem>> -> memref<4096xi32, #tpu.memory_space<vmem>>
    %dma_wait3A_169 = tpu.memref_slice %arg3[%add3A_63, %mul3A_32] : memref<50x16384xi32, #tpu.memory_space<hbm>> -> memref<1x4096xi32, #tpu.memory_space<hbm>>
    %dma_wait3A_170 = tpu.memref_squeeze %dma_wait3A_169 : memref<1x4096xi32, #tpu.memory_space<hbm>> -> memref<4096xi32, #tpu.memory_space<hbm>>
    %dma_wait3A_171 = arith.constant 12288 : i32
    %dma_wait3A_172 = tpu.memref_slice %arg7[%dma_wait3A_171] : memref<28672xi32, #tpu.memory_space<vmem>> -> memref<4096xi32, #tpu.memory_space<vmem>>
    %dma_wait3A_173 = tpu.memref_slice %arg3[%add3A_63, %mul3A_32] : memref<50x16384xi32, #tpu.memory_space<hbm>> -> memref<1x4096xi32, #tpu.memory_space<hbm>>
    %dma_wait3A_174 = tpu.memref_squeeze %dma_wait3A_173 : memref<1x4096xi32, #tpu.memory_space<hbm>> -> memref<4096xi32, #tpu.memory_space<hbm>>
    tpu.wait_dma2 semaphore(%arg9 : memref<!tpu.dma_semaphore, #tpu.memory_space<semaphore_mem>>) src(%dma_wait3A_174 : memref<4096xi32, #tpu.memory_space<hbm>>) dst(%dma_wait3A_172 : memref<4096xi32, #tpu.memory_space<vmem>>)
    %dma_wait3A_175 = arith.constant 16384 : i32
    %dma_wait3A_176 = tpu.memref_slice %arg7[%dma_wait3A_175] : memref<28672xi32, #tpu.memory_space<vmem>> -> memref<4096xi32, #tpu.memory_space<vmem>>
    %dma_wait3A_177 = tpu.memref_slice %arg3[%add3A_73, %mul3A_32] : memref<50x16384xi32, #tpu.memory_space<hbm>> -> memref<1x4096xi32, #tpu.memory_space<hbm>>
    %dma_wait3A_178 = tpu.memref_squeeze %dma_wait3A_177 : memref<1x4096xi32, #tpu.memory_space<hbm>> -> memref<4096xi32, #tpu.memory_space<hbm>>
    %dma_wait3A_179 = arith.constant 16384 : i32
    %dma_wait3A_180 = tpu.memref_slice %arg7[%dma_wait3A_179] : memref<28672xi32, #tpu.memory_space<vmem>> -> memref<4096xi32, #tpu.memory_space<vmem>>
    %dma_wait3A_181 = tpu.memref_slice %arg3[%add3A_73, %mul3A_32] : memref<50x16384xi32, #tpu.memory_space<hbm>> -> memref<1x4096xi32, #tpu.memory_space<hbm>>
    %dma_wait3A_182 = tpu.memref_squeeze %dma_wait3A_181 : memref<1x4096xi32, #tpu.memory_space<hbm>> -> memref<4096xi32, #tpu.memory_space<hbm>>
    tpu.wait_dma2 semaphore(%arg9 : memref<!tpu.dma_semaphore, #tpu.memory_space<semaphore_mem>>) src(%dma_wait3A_182 : memref<4096xi32, #tpu.memory_space<hbm>>) dst(%dma_wait3A_180 : memref<4096xi32, #tpu.memory_space<vmem>>)
    %dma_wait3A_183 = arith.constant 20480 : i32
    %dma_wait3A_184 = tpu.memref_slice %arg7[%dma_wait3A_183] : memref<28672xi32, #tpu.memory_space<vmem>> -> memref<4096xi32, #tpu.memory_space<vmem>>
    %dma_wait3A_185 = tpu.memref_slice %arg3[%add3A_83, %mul3A_32] : memref<50x16384xi32, #tpu.memory_space<hbm>> -> memref<1x4096xi32, #tpu.memory_space<hbm>>
    %dma_wait3A_186 = tpu.memref_squeeze %dma_wait3A_185 : memref<1x4096xi32, #tpu.memory_space<hbm>> -> memref<4096xi32, #tpu.memory_space<hbm>>
    %dma_wait3A_187 = arith.constant 20480 : i32
    %dma_wait3A_188 = tpu.memref_slice %arg7[%dma_wait3A_187] : memref<28672xi32, #tpu.memory_space<vmem>> -> memref<4096xi32, #tpu.memory_space<vmem>>
    %dma_wait3A_189 = tpu.memref_slice %arg3[%add3A_83, %mul3A_32] : memref<50x16384xi32, #tpu.memory_space<hbm>> -> memref<1x4096xi32, #tpu.memory_space<hbm>>
    %dma_wait3A_190 = tpu.memref_squeeze %dma_wait3A_189 : memref<1x4096xi32, #tpu.memory_space<hbm>> -> memref<4096xi32, #tpu.memory_space<hbm>>
    tpu.wait_dma2 semaphore(%arg9 : memref<!tpu.dma_semaphore, #tpu.memory_space<semaphore_mem>>) src(%dma_wait3A_190 : memref<4096xi32, #tpu.memory_space<hbm>>) dst(%dma_wait3A_188 : memref<4096xi32, #tpu.memory_space<vmem>>)
    %lt3A_191 = arith.constant 8 : i32
    %lt3A_192 = arith.cmpi slt, %add3A, %lt3A_191 : i32
    %convert_element_type3A_193 = arith.extui %lt3A_192 : i1 to i32
    %cond3A_194 = arith.constant 0 : i32
    %cond3A_195 = arith.cmpi ne, %convert_element_type3A_193, %cond3A_194 : i32
    scf.if %cond3A_195 {
      %add3A_338 = arith.constant 48 : i32
      %add3A_339 = arith.addi %select_n3A, %add3A_338 : i32
      %dma_wait3A_340 = arith.constant 24576 : i32
      %dma_wait3A_341 = tpu.memref_slice %arg7[%dma_wait3A_340] : memref<28672xi32, #tpu.memory_space<vmem>> -> memref<4096xi32, #tpu.memory_space<vmem>>
      %dma_wait3A_342 = tpu.memref_slice %arg3[%add3A_339, %mul3A_32] : memref<50x16384xi32, #tpu.memory_space<hbm>> -> memref<1x4096xi32, #tpu.memory_space<hbm>>
      %dma_wait3A_343 = tpu.memref_squeeze %dma_wait3A_342 : memref<1x4096xi32, #tpu.memory_space<hbm>> -> memref<4096xi32, #tpu.memory_space<hbm>>
      %dma_wait3A_344 = arith.constant 24576 : i32
      %dma_wait3A_345 = tpu.memref_slice %arg7[%dma_wait3A_344] : memref<28672xi32, #tpu.memory_space<vmem>> -> memref<4096xi32, #tpu.memory_space<vmem>>
      %dma_wait3A_346 = tpu.memref_slice %arg3[%add3A_339, %mul3A_32] : memref<50x16384xi32, #tpu.memory_space<hbm>> -> memref<1x4096xi32, #tpu.memory_space<hbm>>
      %dma_wait3A_347 = tpu.memref_squeeze %dma_wait3A_346 : memref<1x4096xi32, #tpu.memory_space<hbm>> -> memref<4096xi32, #tpu.memory_space<hbm>>
      tpu.wait_dma2 semaphore(%arg9 : memref<!tpu.dma_semaphore, #tpu.memory_space<semaphore_mem>>) src(%dma_wait3A_347 : memref<4096xi32, #tpu.memory_space<hbm>>) dst(%dma_wait3A_345 : memref<4096xi32, #tpu.memory_space<vmem>>)
    } else {
    }
    %barrier3A = arith.constant 0 : index
    tpu.barrier barrier_id(%barrier3A)
    %dma_start3A_196 = arith.constant 0 : i32
    %dma_start3A_197 = tpu.memref_slice %arg8[%dma_start3A_196] : memref<28672xf32, #tpu.memory_space<vmem>> -> memref<12288xf32, #tpu.memory_space<vmem>>
    %dma_start3A_198 = arith.constant 0 : i32
    %dma_start3A_199 = tpu.memref_slice %arg7[%dma_start3A_198] : memref<28672xi32, #tpu.memory_space<vmem>> -> memref<12288xi32, #tpu.memory_space<vmem>>
    %dma_start3A_200 = arith.constant 0 : i32
    %dma_start3A_201 = tpu.memref_slice %arg5[%dma_start3A_200] : memref<1000000xf32, #tpu.memory_space<vmem_shared>> -> memref<1000000xf32, #tpu.memory_space<vmem_shared>>
    tpu.enqueue_indirect_dma source(%dma_start3A_201 : memref<1000000xf32, #tpu.memory_space<vmem_shared>>) target(%dma_start3A_197 : memref<12288xf32, #tpu.memory_space<vmem>>) offsets(%dma_start3A_199 : memref<12288xi32, #tpu.memory_space<vmem>>) semaphore(%arg11 : memref<!tpu.dma_semaphore, #tpu.memory_space<semaphore_mem>>)
    %dma_start3A_202 = arith.constant 12288 : i32
    %dma_start3A_203 = tpu.memref_slice %arg8[%dma_start3A_202] : memref<28672xf32, #tpu.memory_space<vmem>> -> memref<12288xf32, #tpu.memory_space<vmem>>
    %dma_start3A_204 = arith.constant 12288 : i32
    %dma_start3A_205 = tpu.memref_slice %arg7[%dma_start3A_204] : memref<28672xi32, #tpu.memory_space<vmem>> -> memref<12288xi32, #tpu.memory_space<vmem>>
    %dma_start3A_206 = arith.constant 0 : i32
    %dma_start3A_207 = tpu.memref_slice %arg5[%dma_start3A_206] : memref<1000000xf32, #tpu.memory_space<vmem_shared>> -> memref<1000000xf32, #tpu.memory_space<vmem_shared>>
    tpu.enqueue_indirect_dma source(%dma_start3A_207 : memref<1000000xf32, #tpu.memory_space<vmem_shared>>) target(%dma_start3A_203 : memref<12288xf32, #tpu.memory_space<vmem>>) offsets(%dma_start3A_205 : memref<12288xi32, #tpu.memory_space<vmem>>) semaphore(%arg12 : memref<!tpu.dma_semaphore, #tpu.memory_space<semaphore_mem>>)
    %lt3A_208 = arith.constant 8 : i32
    %lt3A_209 = arith.cmpi slt, %add3A, %lt3A_208 : i32
    %convert_element_type3A_210 = arith.extui %lt3A_209 : i1 to i32
    %cond3A_211 = arith.constant 0 : i32
    %cond3A_212 = arith.cmpi ne, %convert_element_type3A_210, %cond3A_211 : i32
    scf.if %cond3A_212 {
      %dma_start3A_338 = arith.constant 24576 : i32
      %dma_start3A_339 = tpu.memref_slice %arg8[%dma_start3A_338] : memref<28672xf32, #tpu.memory_space<vmem>> -> memref<4096xf32, #tpu.memory_space<vmem>>
      %dma_start3A_340 = arith.constant 24576 : i32
      %dma_start3A_341 = tpu.memref_slice %arg7[%dma_start3A_340] : memref<28672xi32, #tpu.memory_space<vmem>> -> memref<4096xi32, #tpu.memory_space<vmem>>
      %dma_start3A_342 = arith.constant 0 : i32
      %dma_start3A_343 = tpu.memref_slice %arg5[%dma_start3A_342] : memref<1000000xf32, #tpu.memory_space<vmem_shared>> -> memref<1000000xf32, #tpu.memory_space<vmem_shared>>
      tpu.enqueue_indirect_dma source(%dma_start3A_343 : memref<1000000xf32, #tpu.memory_space<vmem_shared>>) target(%dma_start3A_339 : memref<4096xf32, #tpu.memory_space<vmem>>) offsets(%dma_start3A_341 : memref<4096xi32, #tpu.memory_space<vmem>>) semaphore(%arg9 : memref<!tpu.dma_semaphore, #tpu.memory_space<semaphore_mem>>)
    } else {
    }
    %dma_wait3A_213 = arith.constant 0 : i32
    %dma_wait3A_214 = tpu.memref_slice %arg8[%dma_wait3A_213] : memref<28672xf32, #tpu.memory_space<vmem>> -> memref<12288xf32, #tpu.memory_space<vmem>>
    %dma_wait3A_215 = arith.constant 0 : i32
    %dma_wait3A_216 = tpu.memref_slice %arg7[%dma_wait3A_215] : memref<28672xi32, #tpu.memory_space<vmem>> -> memref<12288xi32, #tpu.memory_space<vmem>>
    %dma_wait3A_217 = arith.constant 0 : i32
    %dma_wait3A_218 = tpu.memref_slice %arg5[%dma_wait3A_217] : memref<1000000xf32, #tpu.memory_space<vmem_shared>> -> memref<1000000xf32, #tpu.memory_space<vmem_shared>>
    tpu.wait_indirect_dma semaphore(%arg11 : memref<!tpu.dma_semaphore, #tpu.memory_space<semaphore_mem>>) src(%dma_wait3A_218 : memref<1000000xf32, #tpu.memory_space<vmem_shared>>) dst(%dma_wait3A_214 : memref<12288xf32, #tpu.memory_space<vmem>>)
    %add3A_219 = arith.constant 0 : i32
    %add3A_220 = arith.addi %select_n3A, %add3A_219 : i32
    %dma_start3A_221 = arith.constant 0 : i32
    %dma_start3A_222 = tpu.memref_slice %arg8[%dma_start3A_221] : memref<28672xf32, #tpu.memory_space<vmem>> -> memref<4096xf32, #tpu.memory_space<vmem>>
    %dma_start3A_223 = tpu.memref_slice %arg4[%add3A_220, %mul3A_32] : memref<50x16384xf32, #tpu.memory_space<hbm>> -> memref<1x4096xf32, #tpu.memory_space<hbm>>
    %dma_start3A_224 = tpu.memref_squeeze %dma_start3A_223 : memref<1x4096xf32, #tpu.memory_space<hbm>> -> memref<4096xf32, #tpu.memory_space<hbm>>
    %dma_start3A_225 = tpu.memref_slice %arg4[%add3A_220, %mul3A_32] : memref<50x16384xf32, #tpu.memory_space<hbm>> -> memref<1x4096xf32, #tpu.memory_space<hbm>>
    %dma_start3A_226 = tpu.memref_squeeze %dma_start3A_225 : memref<1x4096xf32, #tpu.memory_space<hbm>> -> memref<4096xf32, #tpu.memory_space<hbm>>
    %dma_start3A_227 = arith.constant 0 : i32
    %dma_start3A_228 = tpu.memref_slice %arg8[%dma_start3A_227] : memref<28672xf32, #tpu.memory_space<vmem>> -> memref<4096xf32, #tpu.memory_space<vmem>>
    tpu.enqueue_dma source(%dma_start3A_228 : memref<4096xf32, #tpu.memory_space<vmem>>) target(%dma_start3A_226 : memref<4096xf32, #tpu.memory_space<hbm>>) target_semaphore(%arg10 : memref<!tpu.dma_semaphore, #tpu.memory_space<semaphore_mem>>)
    %add3A_229 = arith.constant 8 : i32
    %add3A_230 = arith.addi %select_n3A, %add3A_229 : i32
    %dma_start3A_231 = arith.constant 4096 : i32
    %dma_start3A_232 = tpu.memref_slice %arg8[%dma_start3A_231] : memref<28672xf32, #tpu.memory_space<vmem>> -> memref<4096xf32, #tpu.memory_space<vmem>>
    %dma_start3A_233 = tpu.memref_slice %arg4[%add3A_230, %mul3A_32] : memref<50x16384xf32, #tpu.memory_space<hbm>> -> memref<1x4096xf32, #tpu.memory_space<hbm>>
    %dma_start3A_234 = tpu.memref_squeeze %dma_start3A_233 : memref<1x4096xf32, #tpu.memory_space<hbm>> -> memref<4096xf32, #tpu.memory_space<hbm>>
    %dma_start3A_235 = tpu.memref_slice %arg4[%add3A_230, %mul3A_32] : memref<50x16384xf32, #tpu.memory_space<hbm>> -> memref<1x4096xf32, #tpu.memory_space<hbm>>
    %dma_start3A_236 = tpu.memref_squeeze %dma_start3A_235 : memref<1x4096xf32, #tpu.memory_space<hbm>> -> memref<4096xf32, #tpu.memory_space<hbm>>
    %dma_start3A_237 = arith.constant 4096 : i32
    %dma_start3A_238 = tpu.memref_slice %arg8[%dma_start3A_237] : memref<28672xf32, #tpu.memory_space<vmem>> -> memref<4096xf32, #tpu.memory_space<vmem>>
    tpu.enqueue_dma source(%dma_start3A_238 : memref<4096xf32, #tpu.memory_space<vmem>>) target(%dma_start3A_236 : memref<4096xf32, #tpu.memory_space<hbm>>) target_semaphore(%arg10 : memref<!tpu.dma_semaphore, #tpu.memory_space<semaphore_mem>>)
    %add3A_239 = arith.constant 16 : i32
    %add3A_240 = arith.addi %select_n3A, %add3A_239 : i32
    %dma_start3A_241 = arith.constant 8192 : i32
    %dma_start3A_242 = tpu.memref_slice %arg8[%dma_start3A_241] : memref<28672xf32, #tpu.memory_space<vmem>> -> memref<4096xf32, #tpu.memory_space<vmem>>
    %dma_start3A_243 = tpu.memref_slice %arg4[%add3A_240, %mul3A_32] : memref<50x16384xf32, #tpu.memory_space<hbm>> -> memref<1x4096xf32, #tpu.memory_space<hbm>>
    %dma_start3A_244 = tpu.memref_squeeze %dma_start3A_243 : memref<1x4096xf32, #tpu.memory_space<hbm>> -> memref<4096xf32, #tpu.memory_space<hbm>>
    %dma_start3A_245 = tpu.memref_slice %arg4[%add3A_240, %mul3A_32] : memref<50x16384xf32, #tpu.memory_space<hbm>> -> memref<1x4096xf32, #tpu.memory_space<hbm>>
    %dma_start3A_246 = tpu.memref_squeeze %dma_start3A_245 : memref<1x4096xf32, #tpu.memory_space<hbm>> -> memref<4096xf32, #tpu.memory_space<hbm>>
    %dma_start3A_247 = arith.constant 8192 : i32
    %dma_start3A_248 = tpu.memref_slice %arg8[%dma_start3A_247] : memref<28672xf32, #tpu.memory_space<vmem>> -> memref<4096xf32, #tpu.memory_space<vmem>>
    tpu.enqueue_dma source(%dma_start3A_248 : memref<4096xf32, #tpu.memory_space<vmem>>) target(%dma_start3A_246 : memref<4096xf32, #tpu.memory_space<hbm>>) target_semaphore(%arg10 : memref<!tpu.dma_semaphore, #tpu.memory_space<semaphore_mem>>)
    %dma_wait3A_249 = arith.constant 12288 : i32
    %dma_wait3A_250 = tpu.memref_slice %arg8[%dma_wait3A_249] : memref<28672xf32, #tpu.memory_space<vmem>> -> memref<12288xf32, #tpu.memory_space<vmem>>
    %dma_wait3A_251 = arith.constant 12288 : i32
    %dma_wait3A_252 = tpu.memref_slice %arg7[%dma_wait3A_251] : memref<28672xi32, #tpu.memory_space<vmem>> -> memref<12288xi32, #tpu.memory_space<vmem>>
    %dma_wait3A_253 = arith.constant 0 : i32
    %dma_wait3A_254 = tpu.memref_slice %arg5[%dma_wait3A_253] : memref<1000000xf32, #tpu.memory_space<vmem_shared>> -> memref<1000000xf32, #tpu.memory_space<vmem_shared>>
    tpu.wait_indirect_dma semaphore(%arg12 : memref<!tpu.dma_semaphore, #tpu.memory_space<semaphore_mem>>) src(%dma_wait3A_254 : memref<1000000xf32, #tpu.memory_space<vmem_shared>>) dst(%dma_wait3A_250 : memref<12288xf32, #tpu.memory_space<vmem>>)
    %add3A_255 = arith.constant 24 : i32
    %add3A_256 = arith.addi %select_n3A, %add3A_255 : i32
    %dma_start3A_257 = arith.constant 12288 : i32
    %dma_start3A_258 = tpu.memref_slice %arg8[%dma_start3A_257] : memref<28672xf32, #tpu.memory_space<vmem>> -> memref<4096xf32, #tpu.memory_space<vmem>>
    %dma_start3A_259 = tpu.memref_slice %arg4[%add3A_256, %mul3A_32] : memref<50x16384xf32, #tpu.memory_space<hbm>> -> memref<1x4096xf32, #tpu.memory_space<hbm>>
    %dma_start3A_260 = tpu.memref_squeeze %dma_start3A_259 : memref<1x4096xf32, #tpu.memory_space<hbm>> -> memref<4096xf32, #tpu.memory_space<hbm>>
    %dma_start3A_261 = tpu.memref_slice %arg4[%add3A_256, %mul3A_32] : memref<50x16384xf32, #tpu.memory_space<hbm>> -> memref<1x4096xf32, #tpu.memory_space<hbm>>
    %dma_start3A_262 = tpu.memref_squeeze %dma_start3A_261 : memref<1x4096xf32, #tpu.memory_space<hbm>> -> memref<4096xf32, #tpu.memory_space<hbm>>
    %dma_start3A_263 = arith.constant 12288 : i32
    %dma_start3A_264 = tpu.memref_slice %arg8[%dma_start3A_263] : memref<28672xf32, #tpu.memory_space<vmem>> -> memref<4096xf32, #tpu.memory_space<vmem>>
    tpu.enqueue_dma source(%dma_start3A_264 : memref<4096xf32, #tpu.memory_space<vmem>>) target(%dma_start3A_262 : memref<4096xf32, #tpu.memory_space<hbm>>) target_semaphore(%arg10 : memref<!tpu.dma_semaphore, #tpu.memory_space<semaphore_mem>>)
    %add3A_265 = arith.constant 32 : i32
    %add3A_266 = arith.addi %select_n3A, %add3A_265 : i32
    %dma_start3A_267 = arith.constant 16384 : i32
    %dma_start3A_268 = tpu.memref_slice %arg8[%dma_start3A_267] : memref<28672xf32, #tpu.memory_space<vmem>> -> memref<4096xf32, #tpu.memory_space<vmem>>
    %dma_start3A_269 = tpu.memref_slice %arg4[%add3A_266, %mul3A_32] : memref<50x16384xf32, #tpu.memory_space<hbm>> -> memref<1x4096xf32, #tpu.memory_space<hbm>>
    %dma_start3A_270 = tpu.memref_squeeze %dma_start3A_269 : memref<1x4096xf32, #tpu.memory_space<hbm>> -> memref<4096xf32, #tpu.memory_space<hbm>>
    %dma_start3A_271 = tpu.memref_slice %arg4[%add3A_266, %mul3A_32] : memref<50x16384xf32, #tpu.memory_space<hbm>> -> memref<1x4096xf32, #tpu.memory_space<hbm>>
    %dma_start3A_272 = tpu.memref_squeeze %dma_start3A_271 : memref<1x4096xf32, #tpu.memory_space<hbm>> -> memref<4096xf32, #tpu.memory_space<hbm>>
    %dma_start3A_273 = arith.constant 16384 : i32
    %dma_start3A_274 = tpu.memref_slice %arg8[%dma_start3A_273] : memref<28672xf32, #tpu.memory_space<vmem>> -> memref<4096xf32, #tpu.memory_space<vmem>>
    tpu.enqueue_dma source(%dma_start3A_274 : memref<4096xf32, #tpu.memory_space<vmem>>) target(%dma_start3A_272 : memref<4096xf32, #tpu.memory_space<hbm>>) target_semaphore(%arg10 : memref<!tpu.dma_semaphore, #tpu.memory_space<semaphore_mem>>)
    %add3A_275 = arith.constant 40 : i32
    %add3A_276 = arith.addi %select_n3A, %add3A_275 : i32
    %dma_start3A_277 = arith.constant 20480 : i32
    %dma_start3A_278 = tpu.memref_slice %arg8[%dma_start3A_277] : memref<28672xf32, #tpu.memory_space<vmem>> -> memref<4096xf32, #tpu.memory_space<vmem>>
    %dma_start3A_279 = tpu.memref_slice %arg4[%add3A_276, %mul3A_32] : memref<50x16384xf32, #tpu.memory_space<hbm>> -> memref<1x4096xf32, #tpu.memory_space<hbm>>
    %dma_start3A_280 = tpu.memref_squeeze %dma_start3A_279 : memref<1x4096xf32, #tpu.memory_space<hbm>> -> memref<4096xf32, #tpu.memory_space<hbm>>
    %dma_start3A_281 = tpu.memref_slice %arg4[%add3A_276, %mul3A_32] : memref<50x16384xf32, #tpu.memory_space<hbm>> -> memref<1x4096xf32, #tpu.memory_space<hbm>>
    %dma_start3A_282 = tpu.memref_squeeze %dma_start3A_281 : memref<1x4096xf32, #tpu.memory_space<hbm>> -> memref<4096xf32, #tpu.memory_space<hbm>>
    %dma_start3A_283 = arith.constant 20480 : i32
    %dma_start3A_284 = tpu.memref_slice %arg8[%dma_start3A_283] : memref<28672xf32, #tpu.memory_space<vmem>> -> memref<4096xf32, #tpu.memory_space<vmem>>
    tpu.enqueue_dma source(%dma_start3A_284 : memref<4096xf32, #tpu.memory_space<vmem>>) target(%dma_start3A_282 : memref<4096xf32, #tpu.memory_space<hbm>>) target_semaphore(%arg10 : memref<!tpu.dma_semaphore, #tpu.memory_space<semaphore_mem>>)
    %lt3A_285 = arith.constant 8 : i32
    %lt3A_286 = arith.cmpi slt, %add3A, %lt3A_285 : i32
    %convert_element_type3A_287 = arith.extui %lt3A_286 : i1 to i32
    %cond3A_288 = arith.constant 0 : i32
    %cond3A_289 = arith.cmpi ne, %convert_element_type3A_287, %cond3A_288 : i32
    scf.if %cond3A_289 {
      %dma_wait3A_338 = arith.constant 24576 : i32
      %dma_wait3A_339 = tpu.memref_slice %arg8[%dma_wait3A_338] : memref<28672xf32, #tpu.memory_space<vmem>> -> memref<4096xf32, #tpu.memory_space<vmem>>
      %dma_wait3A_340 = arith.constant 24576 : i32
      %dma_wait3A_341 = tpu.memref_slice %arg7[%dma_wait3A_340] : memref<28672xi32, #tpu.memory_space<vmem>> -> memref<4096xi32, #tpu.memory_space<vmem>>
      %dma_wait3A_342 = arith.constant 0 : i32
      %dma_wait3A_343 = tpu.memref_slice %arg5[%dma_wait3A_342] : memref<1000000xf32, #tpu.memory_space<vmem_shared>> -> memref<1000000xf32, #tpu.memory_space<vmem_shared>>
      tpu.wait_indirect_dma semaphore(%arg9 : memref<!tpu.dma_semaphore, #tpu.memory_space<semaphore_mem>>) src(%dma_wait3A_343 : memref<1000000xf32, #tpu.memory_space<vmem_shared>>) dst(%dma_wait3A_339 : memref<4096xf32, #tpu.memory_space<vmem>>)
      %add3A_344 = arith.constant 48 : i32
      %add3A_345 = arith.addi %select_n3A, %add3A_344 : i32
      "tpu.region"() ({
        %run_scoped3A = tpu.sem_alloc : memref<!tpu.dma_semaphore, #tpu.memory_space<semaphore_mem>>
        %dma_start3A_346 = arith.constant 24576 : i32
        %dma_start3A_347 = tpu.memref_slice %arg8[%dma_start3A_346] : memref<28672xf32, #tpu.memory_space<vmem>> -> memref<4096xf32, #tpu.memory_space<vmem>>
        %dma_start3A_348 = tpu.memref_slice %arg4[%add3A_345, %mul3A_32] : memref<50x16384xf32, #tpu.memory_space<hbm>> -> memref<1x4096xf32, #tpu.memory_space<hbm>>
        %dma_start3A_349 = tpu.memref_squeeze %dma_start3A_348 : memref<1x4096xf32, #tpu.memory_space<hbm>> -> memref<4096xf32, #tpu.memory_space<hbm>>
        %dma_start3A_350 = tpu.memref_slice %arg4[%add3A_345, %mul3A_32] : memref<50x16384xf32, #tpu.memory_space<hbm>> -> memref<1x4096xf32, #tpu.memory_space<hbm>>
        %dma_start3A_351 = tpu.memref_squeeze %dma_start3A_350 : memref<1x4096xf32, #tpu.memory_space<hbm>> -> memref<4096xf32, #tpu.memory_space<hbm>>
        %dma_start3A_352 = arith.constant 24576 : i32
        %dma_start3A_353 = tpu.memref_slice %arg8[%dma_start3A_352] : memref<28672xf32, #tpu.memory_space<vmem>> -> memref<4096xf32, #tpu.memory_space<vmem>>
        tpu.enqueue_dma source(%dma_start3A_353 : memref<4096xf32, #tpu.memory_space<vmem>>) target(%dma_start3A_351 : memref<4096xf32, #tpu.memory_space<hbm>>) target_semaphore(%run_scoped3A : memref<!tpu.dma_semaphore, #tpu.memory_space<semaphore_mem>>)
        %dma_wait3A_354 = arith.constant 24576 : i32
        %dma_wait3A_355 = tpu.memref_slice %arg8[%dma_wait3A_354] : memref<28672xf32, #tpu.memory_space<vmem>> -> memref<4096xf32, #tpu.memory_space<vmem>>
        %dma_wait3A_356 = tpu.memref_slice %arg4[%add3A_345, %mul3A_32] : memref<50x16384xf32, #tpu.memory_space<hbm>> -> memref<1x4096xf32, #tpu.memory_space<hbm>>
        %dma_wait3A_357 = tpu.memref_squeeze %dma_wait3A_356 : memref<1x4096xf32, #tpu.memory_space<hbm>> -> memref<4096xf32, #tpu.memory_space<hbm>>
        %dma_wait3A_358 = tpu.memref_slice %arg4[%add3A_345, %mul3A_32] : memref<50x16384xf32, #tpu.memory_space<hbm>> -> memref<1x4096xf32, #tpu.memory_space<hbm>>
        %dma_wait3A_359 = tpu.memref_squeeze %dma_wait3A_358 : memref<1x4096xf32, #tpu.memory_space<hbm>> -> memref<4096xf32, #tpu.memory_space<hbm>>
        %dma_wait3A_360 = arith.constant 24576 : i32
        %dma_wait3A_361 = tpu.memref_slice %arg8[%dma_wait3A_360] : memref<28672xf32, #tpu.memory_space<vmem>> -> memref<4096xf32, #tpu.memory_space<vmem>>
        tpu.wait_dma2 semaphore(%run_scoped3A : memref<!tpu.dma_semaphore, #tpu.memory_space<semaphore_mem>>) src(%dma_wait3A_361 : memref<4096xf32, #tpu.memory_space<vmem>>) dst(%dma_wait3A_359 : memref<4096xf32, #tpu.memory_space<hbm>>)
        tpu.yield
      }) : () -> ()
    } else {
    }
    %dma_wait3A_290 = arith.constant 0 : i32
    %dma_wait3A_291 = tpu.memref_slice %arg8[%dma_wait3A_290] : memref<28672xf32, #tpu.memory_space<vmem>> -> memref<4096xf32, #tpu.memory_space<vmem>>
    %dma_wait3A_292 = tpu.memref_slice %arg4[%add3A_220, %mul3A_32] : memref<50x16384xf32, #tpu.memory_space<hbm>> -> memref<1x4096xf32, #tpu.memory_space<hbm>>
    %dma_wait3A_293 = tpu.memref_squeeze %dma_wait3A_292 : memref<1x4096xf32, #tpu.memory_space<hbm>> -> memref<4096xf32, #tpu.memory_space<hbm>>
    %dma_wait3A_294 = tpu.memref_slice %arg4[%add3A_220, %mul3A_32] : memref<50x16384xf32, #tpu.memory_space<hbm>> -> memref<1x4096xf32, #tpu.memory_space<hbm>>
    %dma_wait3A_295 = tpu.memref_squeeze %dma_wait3A_294 : memref<1x4096xf32, #tpu.memory_space<hbm>> -> memref<4096xf32, #tpu.memory_space<hbm>>
    %dma_wait3A_296 = arith.constant 0 : i32
    %dma_wait3A_297 = tpu.memref_slice %arg8[%dma_wait3A_296] : memref<28672xf32, #tpu.memory_space<vmem>> -> memref<4096xf32, #tpu.memory_space<vmem>>
    tpu.wait_dma2 semaphore(%arg10 : memref<!tpu.dma_semaphore, #tpu.memory_space<semaphore_mem>>) src(%dma_wait3A_297 : memref<4096xf32, #tpu.memory_space<vmem>>) dst(%dma_wait3A_295 : memref<4096xf32, #tpu.memory_space<hbm>>)
    %dma_wait3A_298 = arith.constant 4096 : i32
    %dma_wait3A_299 = tpu.memref_slice %arg8[%dma_wait3A_298] : memref<28672xf32, #tpu.memory_space<vmem>> -> memref<4096xf32, #tpu.memory_space<vmem>>
    %dma_wait3A_300 = tpu.memref_slice %arg4[%add3A_230, %mul3A_32] : memref<50x16384xf32, #tpu.memory_space<hbm>> -> memref<1x4096xf32, #tpu.memory_space<hbm>>
    %dma_wait3A_301 = tpu.memref_squeeze %dma_wait3A_300 : memref<1x4096xf32, #tpu.memory_space<hbm>> -> memref<4096xf32, #tpu.memory_space<hbm>>
    %dma_wait3A_302 = tpu.memref_slice %arg4[%add3A_230, %mul3A_32] : memref<50x16384xf32, #tpu.memory_space<hbm>> -> memref<1x4096xf32, #tpu.memory_space<hbm>>
    %dma_wait3A_303 = tpu.memref_squeeze %dma_wait3A_302 : memref<1x4096xf32, #tpu.memory_space<hbm>> -> memref<4096xf32, #tpu.memory_space<hbm>>
    %dma_wait3A_304 = arith.constant 4096 : i32
    %dma_wait3A_305 = tpu.memref_slice %arg8[%dma_wait3A_304] : memref<28672xf32, #tpu.memory_space<vmem>> -> memref<4096xf32, #tpu.memory_space<vmem>>
    tpu.wait_dma2 semaphore(%arg10 : memref<!tpu.dma_semaphore, #tpu.memory_space<semaphore_mem>>) src(%dma_wait3A_305 : memref<4096xf32, #tpu.memory_space<vmem>>) dst(%dma_wait3A_303 : memref<4096xf32, #tpu.memory_space<hbm>>)
    %dma_wait3A_306 = arith.constant 8192 : i32
    %dma_wait3A_307 = tpu.memref_slice %arg8[%dma_wait3A_306] : memref<28672xf32, #tpu.memory_space<vmem>> -> memref<4096xf32, #tpu.memory_space<vmem>>
    %dma_wait3A_308 = tpu.memref_slice %arg4[%add3A_240, %mul3A_32] : memref<50x16384xf32, #tpu.memory_space<hbm>> -> memref<1x4096xf32, #tpu.memory_space<hbm>>
    %dma_wait3A_309 = tpu.memref_squeeze %dma_wait3A_308 : memref<1x4096xf32, #tpu.memory_space<hbm>> -> memref<4096xf32, #tpu.memory_space<hbm>>
    %dma_wait3A_310 = tpu.memref_slice %arg4[%add3A_240, %mul3A_32] : memref<50x16384xf32, #tpu.memory_space<hbm>> -> memref<1x4096xf32, #tpu.memory_space<hbm>>
    %dma_wait3A_311 = tpu.memref_squeeze %dma_wait3A_310 : memref<1x4096xf32, #tpu.memory_space<hbm>> -> memref<4096xf32, #tpu.memory_space<hbm>>
    %dma_wait3A_312 = arith.constant 8192 : i32
    %dma_wait3A_313 = tpu.memref_slice %arg8[%dma_wait3A_312] : memref<28672xf32, #tpu.memory_space<vmem>> -> memref<4096xf32, #tpu.memory_space<vmem>>
    tpu.wait_dma2 semaphore(%arg10 : memref<!tpu.dma_semaphore, #tpu.memory_space<semaphore_mem>>) src(%dma_wait3A_313 : memref<4096xf32, #tpu.memory_space<vmem>>) dst(%dma_wait3A_311 : memref<4096xf32, #tpu.memory_space<hbm>>)
    %dma_wait3A_314 = arith.constant 12288 : i32
    %dma_wait3A_315 = tpu.memref_slice %arg8[%dma_wait3A_314] : memref<28672xf32, #tpu.memory_space<vmem>> -> memref<4096xf32, #tpu.memory_space<vmem>>
    %dma_wait3A_316 = tpu.memref_slice %arg4[%add3A_256, %mul3A_32] : memref<50x16384xf32, #tpu.memory_space<hbm>> -> memref<1x4096xf32, #tpu.memory_space<hbm>>
    %dma_wait3A_317 = tpu.memref_squeeze %dma_wait3A_316 : memref<1x4096xf32, #tpu.memory_space<hbm>> -> memref<4096xf32, #tpu.memory_space<hbm>>
    %dma_wait3A_318 = tpu.memref_slice %arg4[%add3A_256, %mul3A_32] : memref<50x16384xf32, #tpu.memory_space<hbm>> -> memref<1x4096xf32, #tpu.memory_space<hbm>>
    %dma_wait3A_319 = tpu.memref_squeeze %dma_wait3A_318 : memref<1x4096xf32, #tpu.memory_space<hbm>> -> memref<4096xf32, #tpu.memory_space<hbm>>
    %dma_wait3A_320 = arith.constant 12288 : i32
    %dma_wait3A_321 = tpu.memref_slice %arg8[%dma_wait3A_320] : memref<28672xf32, #tpu.memory_space<vmem>> -> memref<4096xf32, #tpu.memory_space<vmem>>
    tpu.wait_dma2 semaphore(%arg10 : memref<!tpu.dma_semaphore, #tpu.memory_space<semaphore_mem>>) src(%dma_wait3A_321 : memref<4096xf32, #tpu.memory_space<vmem>>) dst(%dma_wait3A_319 : memref<4096xf32, #tpu.memory_space<hbm>>)
    %dma_wait3A_322 = arith.constant 16384 : i32
    %dma_wait3A_323 = tpu.memref_slice %arg8[%dma_wait3A_322] : memref<28672xf32, #tpu.memory_space<vmem>> -> memref<4096xf32, #tpu.memory_space<vmem>>
    %dma_wait3A_324 = tpu.memref_slice %arg4[%add3A_266, %mul3A_32] : memref<50x16384xf32, #tpu.memory_space<hbm>> -> memref<1x4096xf32, #tpu.memory_space<hbm>>
    %dma_wait3A_325 = tpu.memref_squeeze %dma_wait3A_324 : memref<1x4096xf32, #tpu.memory_space<hbm>> -> memref<4096xf32, #tpu.memory_space<hbm>>
    %dma_wait3A_326 = tpu.memref_slice %arg4[%add3A_266, %mul3A_32] : memref<50x16384xf32, #tpu.memory_space<hbm>> -> memref<1x4096xf32, #tpu.memory_space<hbm>>
    %dma_wait3A_327 = tpu.memref_squeeze %dma_wait3A_326 : memref<1x4096xf32, #tpu.memory_space<hbm>> -> memref<4096xf32, #tpu.memory_space<hbm>>
    %dma_wait3A_328 = arith.constant 16384 : i32
    %dma_wait3A_329 = tpu.memref_slice %arg8[%dma_wait3A_328] : memref<28672xf32, #tpu.memory_space<vmem>> -> memref<4096xf32, #tpu.memory_space<vmem>>
    tpu.wait_dma2 semaphore(%arg10 : memref<!tpu.dma_semaphore, #tpu.memory_space<semaphore_mem>>) src(%dma_wait3A_329 : memref<4096xf32, #tpu.memory_space<vmem>>) dst(%dma_wait3A_327 : memref<4096xf32, #tpu.memory_space<hbm>>)
    %dma_wait3A_330 = arith.constant 20480 : i32
    %dma_wait3A_331 = tpu.memref_slice %arg8[%dma_wait3A_330] : memref<28672xf32, #tpu.memory_space<vmem>> -> memref<4096xf32, #tpu.memory_space<vmem>>
    %dma_wait3A_332 = tpu.memref_slice %arg4[%add3A_276, %mul3A_32] : memref<50x16384xf32, #tpu.memory_space<hbm>> -> memref<1x4096xf32, #tpu.memory_space<hbm>>
    %dma_wait3A_333 = tpu.memref_squeeze %dma_wait3A_332 : memref<1x4096xf32, #tpu.memory_space<hbm>> -> memref<4096xf32, #tpu.memory_space<hbm>>
    %dma_wait3A_334 = tpu.memref_slice %arg4[%add3A_276, %mul3A_32] : memref<50x16384xf32, #tpu.memory_space<hbm>> -> memref<1x4096xf32, #tpu.memory_space<hbm>>
    %dma_wait3A_335 = tpu.memref_squeeze %dma_wait3A_334 : memref<1x4096xf32, #tpu.memory_space<hbm>> -> memref<4096xf32, #tpu.memory_space<hbm>>
    %dma_wait3A_336 = arith.constant 20480 : i32
    %dma_wait3A_337 = tpu.memref_slice %arg8[%dma_wait3A_336] : memref<28672xf32, #tpu.memory_space<vmem>> -> memref<4096xf32, #tpu.memory_space<vmem>>
    tpu.wait_dma2 semaphore(%arg10 : memref<!tpu.dma_semaphore, #tpu.memory_space<semaphore_mem>>) src(%dma_wait3A_337 : memref<4096xf32, #tpu.memory_space<vmem>>) dst(%dma_wait3A_335 : memref<4096xf32, #tpu.memory_space<hbm>>)
    return
  }
}

</mosaic_0001>

<sc_bundles>
// kernel: kernel.3.cloned.1.call-start
scs
__scs_entry_jumppad:
0x0: {  	(pc) =	sbr.rel $0x88, $3  }
0x1: {  	(tag) =	ssettag $0x0;
	lr =	simm.s32 $0x1  }
0x2: {  	[smem:$0x3F9F] =	sst lr;
	_ =	strace $0xD0000000  }
0x3: {  	_ = 	snop  }
0x4: {  	_ = 	snop  }
0x5: {  	_ = 	snop  }
0x6: {  	_ = 	snop  }
0x7: {  	_ = 	snop  }
__scs_overlays_trampoline_lowered:
0x8: {  	[smem:$0x3FAE] =	sst s0  }
0x9: {  	[smem:$0x3FAF] =	sst s1  }
0xa: {  	[smem:$0x3FB0] =	sst s2  }
0xb: {  	[smem:$0x3FB1] =	sst s3  }
0xc: {  	[smem:$0x3FB2] =	sst s4  }
0xd: {  	[smem:$0x3FB3] =	sst s5  }
0xe: {  	[smem:$0x3FB4] =	sst s6  }
0xf: {  	[smem:$0x3FB5] =	sst s7  }
0x10: {  	[smem:$0x3FB6] =	sst s8  }
0x11: {  	[smem:$0x3FB7] =	sst s9;
	s0 =	simm.s32 @!p0 $0x0  }
0x12: {  	s1 =	sld [smem:$0x3F9D];
	s0 =	simm.s32 @p0 $0x1  }
0x13: {  	[smem:$0x3FB8] =	sst s0;
	s0 =	simm.s32 @!p1 $0x0  }
0x14: {  	s2 =	sld [smem:$0x3F9C];
	s0 =	simm.s32 @p1 $0x1  }
0x15: {  	[smem:$0x3FB9] =	sst s0;
	s0 =	simm.s32 @!p2 $0x0  }
0x16: {  	s3 =	sld [smem:$0x3FDB];
	s0 =	simm.s32 @p2 $0x1  }
0x17: {  	s4 =	simm.s32 $0x1BF5;
	[smem:$0x3FBB] =	sst s0  }
0x18: {  	s0 =	sld [smem:$0x3F9E];
	_ =	swait.ge [sflag:s4], $0x0  }
0x19: {  	s7 =	sld [smem:$0x3F9F]  }
0x1a: {  	s8 =	sadd.s32 $0xFFFFE003, lr  }
0x1b: {  	s9 =	sadd.s32 $0xFFFFFEF7, lr;
	s5 =	simm.s32 $0xFFFFFFFF;
	p2 =	slt.u32 s8, $0xFFFFF086  }
0x1c: {  	p1 =	slt.u32 s9, $0xF7A;
	s5 =	simm.s32 @!p2 $0x0  }
0x1d: {  	s5 =	simm.s32 @p1 $0x1;
	p0 =	seq.s32 s7, s2  }
0x1e: {  	s7 =	smul.u32 @!p0 $0xF7A, s2;
	p2 =	seq.s32 @!p0 s5, $0x0  }
0x1f: {  	s9 =	smul.u32 $0xF7A, s1;
	s8 =	simm.s32 @!p0 $0x1BF5;
	p2 =	por !p2, p0  }
0x20: {  	[sflag:s8] =	ssyncset.s32 @!p0 $0xFFFFF086;
	s6 =	sadd.s32 @!p0 s3, s7;
	s7 =	simm.s32 @!p0 $0x108  }
0x21: {  	s3 =	sadd.s32 s3, s9;
	s6 =	sadd.s32 @!p0 $0x88, s6;
	s7 =	simm.s32 @p2 $0x1082  }
0x22: {  	[simem:s7], [sflag:s8] =	dma.local @!p0 [hbm:s6], $0xF7A  }
0x23: {  	s9 =	sor.u32 $0xD0000000, s2;
	s6 =	simm.s32 $0x108;
	_ =	swait.ge @!p0 [sflag:s8], $0x0  }
0x24: {  	s3 =	sadd.s32 $0x88, s3;
	s6 =	simm.s32 @!p1 $0x1082;
	[sflag:s4] =	ssyncset.s32 $0xFFFFF086  }
0x25: {  	[simem:s6], [sflag:s4] =	dma.local [hbm:s3], $0xF7A  }
0x26: {  	[smem:$0x3F9F] =	sst s1;
	(tag) =	ssettag s2;
	_ =	strace s9  }
0x27: {  	s1 =	sld [smem:$0x3FAF]  }
0x28: {  	s2 =	sld [smem:$0x3FB0]  }
0x29: {  	s4 =	sld [smem:$0x3FB2]  }
0x2a: {  	p0 =	seq.s32 s5, $0x0;
	s5 =	sld [smem:$0x3FB3]  }
0x2b: {  	s6 =	sld [smem:$0x3FB4]  }
0x2c: {  	s7 =	sld [smem:$0x3FB5]  }
0x2d: {  	s3 =	simm.s32 $0x108;
	s8 =	sld [smem:$0x3FB6]  }
0x2e: {  	s3 =	simm.s32 @!p0 $0x1082;
	s9 =	sld [smem:$0x3FB7]  }
0x2f: {  	lr =	sadd.s32 s0, s3;
	s0 =	sld [smem:$0x3FAE]  }
0x30: {  	s3 =	sld [smem:$0x3FB1]  }
0x31: {  	[smem:$0x3FBA] =	sst s10  }
0x32: {  	s10 =	sld [smem:$0x3FB8];
	_ =	sdelay $0x3  }
0x33: {  	p0 =	seq.s32 s10, $0x1;
	s10 =	sld [smem:$0x3FBA];
	_ =	sdelay $0x3  }
0x34: {  	[smem:$0x3FBA] =	sst s10  }
0x35: {  	s10 =	sld [smem:$0x3FB9];
	_ =	sdelay $0x3  }
0x36: {  	p1 =	seq.s32 s10, $0x1;
	s10 =	sld [smem:$0x3FBA];
	_ =	sdelay $0x3  }
0x37: {  	[smem:$0x3FBA] =	sst s10  }
0x38: {  	s10 =	sld [smem:$0x3FBB]  }
0x39: {  	_ = 	snop;
	(pc) =	sbr.ind lr, $3  }
0x3a: {  	_ = 	snop  }
0x3b: {  	_ = 	snop  }
0x3c: {  	p2 =	seq.s32 s10, $0x1;
	s10 =	sld [smem:$0x3FBA]  }
0x3d: {  	_ =	shalt  }
0x3e: {  	_ =	shalt  }
0x3f: {  	_ =	shalt  }
0x40: {  	_ =	shalt  }
0x41: {  	_ =	shalt  }
0x42: {  	_ =	shalt  }
0x43: {  	_ =	shalt  }
0x44: {  	_ =	shalt  }
0x45: {  	_ =	shalt  }
0x46: {  	_ =	shalt  }
0x47: {  	_ =	shalt  }
0x48: {  	_ =	shalt  }
0x49: {  	_ =	shalt  }
0x4a: {  	_ =	shalt  }
0x4b: {  	_ =	shalt  }
0x4c: {  	_ =	shalt  }
0x4d: {  	_ =	shalt  }
0x4e: {  	_ =	shalt  }
0x4f: {  	_ =	shalt  }
0x50: {  	_ =	shalt  }
0x51: {  	_ =	shalt  }
0x52: {  	_ =	shalt  }
0x53: {  	_ =	shalt  }
0x54: {  	_ =	shalt  }
0x55: {  	_ =	shalt  }
0x56: {  	_ =	shalt  }
0x57: {  	_ =	shalt  }
0x58: {  	_ =	shalt  }
0x59: {  	_ =	shalt  }
0x5a: {  	_ =	shalt  }
0x5b: {  	_ =	shalt  }
0x5c: {  	_ =	shalt  }
0x5d: {  	_ =	shalt  }
0x5e: {  	_ =	shalt  }
0x5f: {  	_ =	shalt  }
0x60: {  	_ =	shalt  }
0x61: {  	_ =	shalt  }
0x62: {  	_ =	shalt  }
0x63: {  	_ =	shalt  }
0x64: {  	_ =	shalt  }
0x65: {  	_ =	shalt  }
0x66: {  	_ =	shalt  }
0x67: {  	_ =	shalt  }
0x68: {  	_ =	shalt  }
0x69: {  	_ =	shalt  }
0x6a: {  	_ =	shalt  }
0x6b: {  	_ =	shalt  }
0x6c: {  	_ =	shalt  }
0x6d: {  	_ =	shalt  }
0x6e: {  	_ =	shalt  }
0x6f: {  	_ =	shalt  }
0x70: {  	_ =	shalt  }
0x71: {  	_ =	shalt  }
0x72: {  	_ =	shalt  }
0x73: {  	_ =	shalt  }
0x74: {  	_ =	shalt  }
0x75: {  	_ =	shalt  }
0x76: {  	_ =	shalt  }
0x77: {  	_ =	shalt  }
0x78: {  	_ =	shalt  }
0x79: {  	_ =	shalt  }
0x7a: {  	_ =	shalt  }
0x7b: {  	_ =	shalt  }
0x7c: {  	_ =	shalt  }
0x7d: {  	_ =	shalt  }
0x7e: {  	_ =	shalt  }
0x7f: {  	_ =	shalt  }
0x80: {  	_ =	shalt  }
0x81: {  	_ =	shalt  }
0x82: {  	_ =	shalt  }
0x83: {  	_ =	shalt  }
0x84: {  	_ =	shalt  }
0x85: {  	_ =	shalt  }
0x86: {  	_ =	shalt  }
0x87: {  	_ =	shalt  }
.Lfunc_end0:
.L_simem_size_0:
called_computation_lowered:
.L_overlay_start_0:
0x88: {  	s2 =	sld [smem:$0x3FD9]  }
0x89: {  	s3 =	sld [smem:$0x3FFE];
	_ =	sdelay $0x1  }
0x8a: {  	s1 =	srdreg.scid  }
0x8b: {  	s0 =	sand.u32 $0x1, s1  }
0x8c: {  	s18 =	sshll.u32 s0, $0xA;
	s2 =	sadd.s32 s3, s2  }
0x8d: {  	s2 =	sadd.s32 s2, s18  }
0x8e: {  	[smem:$0x3FC6] =	sst s2  }
0x8f: {  	_ = 	snop  }
0x90: {  	s2 =	sld [smem:$0x3FC9]  }
0x91: {  	s19 =	sld [smem:$0x3FC8]  }
0x92: {  	s4 =	sld [smem:$0x3FD0];
	(tm) =	ssettm $0x1  }
0x93: {  	s5 =	sld [smem:$0x3FFB];
	_ =	sdelay $0x3  }
0x94: {  	_ =	strace s5  }
0x95: {  	s5 =	sld [smem:$0x3FFC];
	_ =	sdelay $0x3  }
0x96: {  	_ =	strace s5  }
0x97: {  	s5 =	sld [smem:$0x3FFD];
	_ =	sdelay $0x3  }
0x98: {  	_ =	strace s5  }
0x99: {  	_ =	strace $0x8FFFFFFF  }
0x9a: {  	s20 =	sld [smem:$0x3FDB];
	_ =	sdelay $0x1  }
0x9b: {  	s6 =	simm.s32 $_scs_section_size  }
0x9c: {  	s7 =	simm.s32 $_size__tile_overlayer_lowered;
	s8 =	simm.s32 $_tile_overlayer_lowered  }
0x9d: {  	s23 =	simm.s32 $0x1BFF;
	s22 =	sshll.u32 s8, $0x1;
	s5 =	sadd.s32 s6, s20  }
0x9e: {  	s9 =	simm.s32 $0x0;
	s21 =	sshll.u32 s7, $0x1;
	s7 =	sadd.s32 s22, s5  }
0x9f: {  	[timem:s9], [sflag:s23] =	dma.local [hbm:s7], s21  }
0xa0: {  	_ =	swait.ge [sflag:s23], s21  }
0xa1: {  	s6 =	ssub.s32 $0x0, s21;
	[sflag:s23] =	ssyncset.done $0x0  }
0xa2: {  	[sflag:s23] =	ssyncadd.s32 s6;
	_ =	sdelay $0x1  }
0xa3: {  	s24 =	simm.s32 $0x1B8B  }
0xa4: {  	_ =	swait.ge [sflag:s24], $0x1  }
0xa5: {  	[sflag:s24] =	ssyncset.done $0x0  }
0xa6: {  	s25 =	simm.s32 $0x1B8E;
	[sflag:s24] =	ssyncadd.s32 $0xFFFFFFFF  }
0xa7: {  	s26 =	simm.s32 $execute0_lowered;
	[smem:$0x3FD2] =	sst s25  }
0xa8: {  	s6 =	sshll.u32 s26, $0x1;
	_ =	strace $0x80000046;
	[dreg:$0x1] =	wrdreg $0xFFFFFFFF  }
0xa9: {  	s28 =	simm.s32 $_size_execute0_lowered;
	s5 =	sadd.s32 s5, s6;
	[dreg:$0x0] =	wrdreg $0x0  }
0xaa: {  	s6 =	sshll.u32 s28, $0x1;
	[dreg:$0x2] =	wrdreg s5  }
0xab: {  	[dreg:$0x3] =	wrdreg s6  }
0xac: {  	[dreg:$0x4] =	wrdreg $0xC0  }
0xad: {  	_ =	task [dreg:s9], $0x5FFFF  }
0xae: {  	[dreg:$0x1] =	wrdreg $0xFFFFFFFF  }
0xaf: {  	[dreg:$0x0] =	wrdreg $0x60  }
0xb0: {  	[dreg:$0x2] =	wrdreg s2  }
0xb1: {  	[dreg:$0x3] =	wrdreg s19  }
0xb2: {  	[dreg:$0x4] =	wrdreg s4  }
0xb3: {  	[dreg:$0x5] =	wrdreg $0x0  }
0xb4: {  	[dreg:$0x6] =	wrdreg $0x9  }
0xb5: {  	_ =	task.clear_ibuf [dreg:s9], $0x7FFFF;
	_ =	strace $0x90000046  }
0xb6: {  	s29 =	simm.s32 $0x9;
	_ =	strace $0x80000048  }
0xb7: {  	_ =	swait.ge [sflag:s29], $0x1  }
0xb8: {  	[sflag:s29] =	ssyncadd.s32 $0xFFFFFFFF  }
0xb9: {  	_ =	strace $0x90000048  }
0xba: {  	_ =	sfence  }
0xbb: {  	s30 =	sld [smem:$0x0];
	_ =	sdelay $0x2  }
0xbc: {  	s31 =	sshll.u32 s1, $0xD;
	s1 =	sshrl.u32 s1, $0x2  }
0xbd: {  	s3 =	sand.u32 $0x4000, s31;
	s1 =	sadd.s32 s1, s30  }
0xbe: {  	s0 =	sor.u32 s3, s0;
	s1 =	sshll.u32 s1, $0x11  }
0xbf: {  	s0 =	sor.u32 s1, s0  }
0xc0: {  	s0 =	sadd.s32 $0x8F2B, s0  }
0xc1: {  	[sflag:s0] =	ssyncadd.remote.s32 $0x1  }
0xc2: {  	_ =	sfence.sel $0xFFFF  }
0xc3: {  	[dreg:$0x0] =	wrdreg $0xFFFFFFFF;
	(pc) =	sbr.abs _section_cstart, $3  }
0xc4: {  	[dreg:$0x1] =	wrdreg $0xFFFFFFFF  }
0xc5: {  	_ =	task.clear_ibuf [dreg:s9], $0x2FFFF;
	_ =	strace $0x9FFFFFFF  }
0xc6: {  	(tm) =	ssettm $0x7FFFFFFF  }
0xc7: {  	_ =	shalt  }
tec
execute0_lowered:
.L_overlay_start_1:
0x0: {  	(tag) =	ssettag $0x1  }
0x1: {  	s1 =	rddreg [dreg:$0x0]  }
0x2: {  	s6 =	rddreg [dreg:$0x1];
	s2 =	srdreg.scid  }
0x3: {  	s17 =	stileid.u32;
	s0 =	rddreg [dreg:$0x2];
	s21 =	sand.u32 $0x1, s2  }
0x4: {  	s13 =	sshll.u32 s17, $0xD;
	s5 =	sshll.u32 s17, $0x3;
	s2 =	rddreg [dreg:$0x3]  }
0x5: {  	s3 =	sshll.u32 s21, $0xC;
	s4 =	sand.u32 $0x2000, s13;
	s13 =	smul.u32 $0x2710, s17  }
0x6: {  	s5 =	sand.u32 $0x70, s5;
	s4 =	sor.u32 s3, s4;
	s3 =	simm.s32 $0x0  }
0x7: {  	s5 =	sor.u32 s5, s4;
	[smem:$0x7FF] =	sst s3;
	s19 =	sshrl.u32 s13, $0x3  }
0x8: {  	s22 =	sadd.s32 $0x27100, s13;
	s23 =	sadd.s32 s13, s2;
	s25 =	sadd.s32 $0x4E200, s13  }
0x9: {  	_ =	strace $0x80000047;
	s20 =	sadd.s32 s1, s19;
	[dreg:$0xc] =	wrdreg s23  }
0xa: {  	s7 =	sor.u32 $0x4000, s5;
	s26 =	sadd.s32 s22, s2;
	[dreg:$0xb] =	wrdreg s20  }
0xb: {  	s8 =	sor.u32 $0x8000, s5;
	s14 =	sadd.s32 s6, s7;
	[dreg:$0xe] =	wrdreg s26  }
0xc: {  	s9 =	sor.u32 $0xC000, s5;
	s15 =	sadd.s32 s6, s8;
	[dreg:$0x5] =	wrdreg s14  }
0xd: {  	s10 =	sor.u32 $0x10000, s5;
	s16 =	sadd.s32 s6, s9;
	[dreg:$0x6] =	wrdreg s15  }
0xe: {  	s12 =	sor.u32 $0x14000, s5;
	s11 =	sadd.s32 s6, s10;
	[dreg:$0x7] =	wrdreg s16  }
0xf: {  	s4 =	sadd.s32 s6, s5;
	s6 =	sadd.s32 s6, s12;
	[dreg:$0x8] =	wrdreg s11  }
0x10: {  	s29 =	sshrl.u32 s25, $0x3;
	s18 =	sadd.s32 $0x18000, s4;
	[dreg:$0x9] =	wrdreg s6  }
0x11: {  	[dreg:$0xa] =	wrdreg s18;
	s11 =	sadd.s32 s1, s29  }
0x12: {  	s20 =	sadd.s32 $0x9C400, s13;
	s16 =	sadd.s32 s25, s2;
	[dreg:$0xf] =	wrdreg s11  }
0x13: {  	s26 =	sadd.s32 s20, s2;
	[dreg:$0x10] =	wrdreg s16  }
0x14: {  	s23 =	sshrl.u32 s20, $0x3;
	s20 =	sadd.s32 s0, s7;
	[dreg:$0x14] =	wrdreg s26  }
0x15: {  	s6 =	simm.s32 $0x14BA8;
	[dreg:$0x19] =	wrdreg s20  }
0x16: {  	s14 =	sshrl.u32 s22, $0x3;
	s7 =	simm.s32 $0x15BA8;
	[smem:$0x7F5] =	sst s6  }
0x17: {  	s15 =	sadd.s32 $0x75300, s13;
	s24 =	sadd.s32 s1, s14;
	[smem:$0x7F4] =	sst s7  }
0x18: {  	s25 =	sadd.s32 $0xC3500, s13;
	s22 =	sadd.s32 s15, s2;
	[dreg:$0xd] =	wrdreg s24  }
0x19: {  	s5 =	sadd.s32 s0, s5;
	s16 =	sadd.s32 s25, s2;
	[dreg:$0x12] =	wrdreg s22  }
0x1a: {  	s29 =	sshrl.u32 s25, $0x3;
	s25 =	sadd.s32 $0x18000, s5;
	[dreg:$0x16] =	wrdreg s16  }
0x1b: {  	s26 =	simm.s32 $0x11BA8;
	[dreg:$0x1e] =	wrdreg s25  }
0x1c: {  	s11 =	simm.s32 $0x1ABA8;
	[dreg:$0x1f] =	wrdreg s26  }
0x1d: {  	[smem:$0x7FA] =	sst s11  }
0x1e: {  	s16 =	sld [smem:$0x7F5]  }
0x1f: {  	s25 =	rddreg [dreg:$0x8]  }
0x20: {  	s18 =	sshrl.u32 s15, $0x3;
	s26 =	rddreg [dreg:$0x9]  }
0x21: {  	s19 =	sadd.s32 s1, s18;
	s11 =	rddreg [dreg:$0xa]  }
0x22: {  	s24 =	sadd.s32 s1, s23;
	[dreg:$0x11] =	wrdreg s19  }
0x23: {  	s15 =	sadd.s32 s1, s29;
	[dreg:$0x13] =	wrdreg s24  }
0x24: {  	s22 =	sadd.s32 s0, s8;
	[dreg:$0x15] =	wrdreg s15  }
0x25: {  	s23 =	sadd.s32 s0, s9;
	[dreg:$0x1a] =	wrdreg s22  }
0x26: {  	s29 =	simm.s32 $0x12BA8;
	[dreg:$0x1b] =	wrdreg s23  }
0x27: {  	s8 =	simm.s32 $0x16BA8;
	[smem:$0x7F7] =	sst s29  }
0x28: {  	s9 =	simm.s32 $0x18BA8;
	[smem:$0x7F3] =	sst s8  }
0x29: {  	[smem:$0x7F8] =	sst s9  }
0x2a: {  	s13 =	sadd.s32 $0xEA600, s13;
	s15 =	sld [smem:$0x7F4]  }
0x2b: {  	s18 =	sshrl.u32 s13, $0x3;
	s22 =	rddreg [dreg:$0x5]  }
0x2c: {  	s1 =	sadd.s32 s1, s18;
	s23 =	rddreg [dreg:$0x6]  }
0x2d: {  	s19 =	sadd.s32 s13, s2;
	[dreg:$0x17] =	wrdreg s1  }
0x2e: {  	s24 =	sadd.s32 s0, s10;
	[dreg:$0x18] =	wrdreg s19  }
0x2f: {  	s0 =	sadd.s32 s0, s12;
	[dreg:$0x1c] =	wrdreg s24  }
0x30: {  	s10 =	simm.s32 $0x19BA8;
	[dreg:$0x1d] =	wrdreg s0  }
0x31: {  	[smem:$0x7F9] =	sst s10  }
0x32: {  	s19 =	rddreg [dreg:$0x1f]  }
0x33: {  	s1 =	simm.s32 $0x13BA8;
	s20 =	sld [smem:$0x7F7]  }
0x34: {  	s6 =	simm.s32 $0x80;
	s7 =	simm.s32 $0x400;
	[smem:$0x7F6] =	sst s1  }
0x35: {  	[tilespmem:s19], [sflag:$0x1] =	stream.strided.gather [hbm4b:s4+s6], $0x1000, s7, s6, $0x38;
	[tilespmem:$0x1FBA8] =	vst v63  }
0x36: {  	s12 =	simm.s32 $0x1BBA8;
	s18 =	sld [smem:$0x7F6]  }
0x37: {  	[tilespmem:s20], [sflag:$0x1] =	stream.strided.gather [hbm4b:s22+s6], $0x1000, s7, s6, $0x38;
	[tilespmem:$0x1FBA8] =	vst v63  }
0x38: {  	[smem:$0x7FB] =	sst s12  }
0x39: {  	[tilespmem:s18], [sflag:$0x1] =	stream.strided.gather [hbm4b:s23+s6], $0x1000, s7, s6, $0x38;
	[tilespmem:$0x1FBA8] =	vst v63  }
0x3a: {  	s24 =	rddreg [dreg:$0x7]  }
0x3b: {  	[tilespmem:s16], [sflag:$0x1] =	stream.strided.gather [hbm4b:s24+s6], $0x1000, s7, s6, $0x38;
	[tilespmem:$0x1FBA8] =	vst v63  }
0x3c: {  	p0 =	sgt.u32 s17, $0x3;
	s13 =	simm.s32 $0x1CBA8;
	s14 =	sld [smem:$0x7F3]  }
0x3d: {  	[tilespmem:s15], [sflag:$0x1] =	stream.strided.gather [hbm4b:s25+s6], $0x1000, s7, s6, $0x38;
	[tilespmem:$0x1FBA8] =	vst v63  }
0x3e: {  	s29 =	simm.s32 $0x1DBA8;
	s9 =	simm.s32 @!p0 $0x80;
	[smem:$0x7FC] =	sst s13  }
0x3f: {  	[tilespmem:s14], [sflag:$0x1] =	stream.strided.gather [hbm4b:s26+s6], $0x1000, s7, s6, $0x38;
	[tilespmem:$0x1FBA8] =	vst v63  }
0x40: {  	s12 =	simm.s32 @!p0 $0x17BA8;
	s10 =	simm.s32 @!p0 $0x400;
	s13 =	rddreg [dreg:$0xb]  }
0x41: {  	[tilespmem:s12], [sflag:$0x1] =	stream.strided.gather @!p0 [hbm4b:s11+s9], $0x1000, s10, s9, $0x38;
	[tilespmem:$0x1FBA8] =	vst v63  }
0x42: {  	[smem:$0x7FD] =	sst s29;
	s11 =	simm.s32 $0xF428;
	s12 =	simm.s32 $0x5  }
0x43: {  	[tilespmem:s11], [sflag:$0x5] =	stream.linear.gather [hbm4b:s13+s3], $0x2710, $0x38;
	[tilespmem:$0x1FBA8] =	vst v63  }
0x44: {  	_ =	swait.ge [sflag:s12], $0x2710  }
0x45: {  	[sflag:s12] =	ssyncset.done $0x0  }
0x46: {  	s14 =	rddreg [dreg:$0xc];
	[sflag:s12] =	ssyncadd.s32 $0xFFFFD8F0  }
0x47: {  	[spmem:s14] =	stream.linear.scatter [tilespmem:s11], [sflag:$0x5], $0x2710, $0x38;
	[tilespmem:$0x1FBA8] =	vst v63  }
0x48: {  	_ =	swait.ge [sflag:s12], $0x2710  }
0x49: {  	[sflag:s12] =	ssyncset.done $0x0  }
0x4a: {  	s15 =	rddreg [dreg:$0xd];
	[sflag:s12] =	ssyncadd.s32 $0xFFFFD8F0  }
0x4b: {  	[tilespmem:s11], [sflag:$0x5] =	stream.linear.gather [hbm4b:s15+s3], $0x2710, $0x38;
	[tilespmem:$0x1FBA8] =	vst v63  }
0x4c: {  	_ =	swait.ge [sflag:s12], $0x2710  }
0x4d: {  	[sflag:s12] =	ssyncset.done $0x0  }
0x4e: {  	s16 =	rddreg [dreg:$0xe];
	[sflag:s12] =	ssyncadd.s32 $0xFFFFD8F0  }
0x4f: {  	[spmem:s16] =	stream.linear.scatter [tilespmem:s11], [sflag:$0x5], $0x2710, $0x38;
	[tilespmem:$0x1FBA8] =	vst v63  }
0x50: {  	_ =	swait.ge [sflag:s12], $0x2710  }
0x51: {  	[sflag:s12] =	ssyncset.done $0x0  }
0x52: {  	s18 =	rddreg [dreg:$0xf];
	[sflag:s12] =	ssyncadd.s32 $0xFFFFD8F0  }
0x53: {  	[tilespmem:s11], [sflag:$0x5] =	stream.linear.gather [hbm4b:s18+s3], $0x2710, $0x38;
	[tilespmem:$0x1FBA8] =	vst v63  }
0x54: {  	_ =	swait.ge [sflag:s12], $0x2710  }
0x55: {  	[sflag:s12] =	ssyncset.done $0x0  }
0x56: {  	s19 =	rddreg [dreg:$0x10];
	[sflag:s12] =	ssyncadd.s32 $0xFFFFD8F0  }
0x57: {  	[spmem:s19] =	stream.linear.scatter [tilespmem:s11], [sflag:$0x5], $0x2710, $0x38;
	[tilespmem:$0x1FBA8] =	vst v63  }
0x58: {  	_ =	swait.ge [sflag:s12], $0x2710  }
0x59: {  	[sflag:s12] =	ssyncset.done $0x0  }
0x5a: {  	s20 =	rddreg [dreg:$0x11];
	[sflag:s12] =	ssyncadd.s32 $0xFFFFD8F0  }
0x5b: {  	[tilespmem:s11], [sflag:$0x5] =	stream.linear.gather [hbm4b:s20+s3], $0x2710, $0x38;
	[tilespmem:$0x1FBA8] =	vst v63  }
0x5c: {  	_ =	swait.ge [sflag:s12], $0x2710  }
0x5d: {  	[sflag:s12] =	ssyncset.done $0x0  }
0x5e: {  	s22 =	rddreg [dreg:$0x12];
	[sflag:s12] =	ssyncadd.s32 $0xFFFFD8F0  }
0x5f: {  	[spmem:s22] =	stream.linear.scatter [tilespmem:s11], [sflag:$0x5], $0x2710, $0x38;
	[tilespmem:$0x1FBA8] =	vst v63  }
0x60: {  	_ =	swait.ge [sflag:s12], $0x2710  }
0x61: {  	[sflag:s12] =	ssyncset.done $0x0  }
0x62: {  	s23 =	rddreg [dreg:$0x13];
	[sflag:s12] =	ssyncadd.s32 $0xFFFFD8F0  }
0x63: {  	[tilespmem:s11], [sflag:$0x5] =	stream.linear.gather [hbm4b:s23+s3], $0x2710, $0x38;
	[tilespmem:$0x1FBA8] =	vst v63  }
0x64: {  	_ =	swait.ge [sflag:s12], $0x2710  }
0x65: {  	[sflag:s12] =	ssyncset.done $0x0  }
0x66: {  	s24 =	rddreg [dreg:$0x14];
	[sflag:s12] =	ssyncadd.s32 $0xFFFFD8F0  }
0x67: {  	[spmem:s24] =	stream.linear.scatter [tilespmem:s11], [sflag:$0x5], $0x2710, $0x38;
	[tilespmem:$0x1FBA8] =	vst v63  }
0x68: {  	_ =	swait.ge [sflag:s12], $0x2710  }
0x69: {  	[sflag:s12] =	ssyncset.done $0x0  }
0x6a: {  	s25 =	rddreg [dreg:$0x15];
	[sflag:s12] =	ssyncadd.s32 $0xFFFFD8F0  }
0x6b: {  	[tilespmem:s11], [sflag:$0x5] =	stream.linear.gather [hbm4b:s25+s3], $0x2710, $0x38;
	[tilespmem:$0x1FBA8] =	vst v63  }
0x6c: {  	_ =	swait.ge [sflag:s12], $0x2710  }
0x6d: {  	[sflag:s12] =	ssyncset.done $0x0  }
0x6e: {  	s26 =	rddreg [dreg:$0x16];
	[sflag:s12] =	ssyncadd.s32 $0xFFFFD8F0  }
0x6f: {  	[spmem:s26] =	stream.linear.scatter [tilespmem:s11], [sflag:$0x5], $0x2710, $0x38;
	[tilespmem:$0x1FBA8] =	vst v63  }
0x70: {  	_ =	swait.ge [sflag:s12], $0x2710  }
0x71: {  	s1 =	simm.s32 @!p0 $0x0;
	s13 =	simm.s32 @!p0 $0x5;
	[sflag:s12] =	ssyncset.done $0x0  }
0x72: {  	s15 =	simm.s32 @!p0 $0xF428;
	s0 =	rddreg [dreg:$0x17];
	[sflag:s12] =	ssyncadd.s32 $0xFFFFD8F0  }
0x73: {  	[tilespmem:s15], [sflag:$0x5] =	stream.linear.gather @!p0 [hbm4b:s0+s1], $0x2710, $0x38;
	[tilespmem:$0x1FBA8] =	vst v63  }
0x74: {  	_ =	swait.ge @!p0 [sflag:s13], $0x2710  }
0x75: {  	[sflag:s13] =	ssyncset.done @!p0 $0x0  }
0x76: {  	s0 =	rddreg [dreg:$0x18];
	[sflag:s13] =	ssyncadd.s32 @!p0 $0xFFFFD8F0  }
0x77: {  	[spmem:s0] =	stream.linear.scatter @!p0 [tilespmem:s15], [sflag:$0x5], $0x2710, $0x38;
	[tilespmem:$0x1FBA8] =	vst v63  }
0x78: {  	_ =	swait.ge @!p0 [sflag:s13], $0x2710  }
0x79: {  	[sflag:s13] =	ssyncset.done @!p0 $0x0  }
0x7a: {  	s16 =	simm.s32 $0x1;
	[sflag:s13] =	ssyncadd.s32 @!p0 $0xFFFFD8F0  }
0x7b: {  	_ =	swait.ge [sflag:s16], $0x1000  }
0x7c: {  	[sflag:s16] =	ssyncset.done $0x0  }
0x7d: {  	[sflag:s16] =	ssyncadd.s32 $0xFFFFF000  }
0x7e: {  	_ =	swait.ge [sflag:s16], $0x1000  }
0x7f: {  	[sflag:s16] =	ssyncset.done $0x0  }
0x80: {  	[sflag:s16] =	ssyncadd.s32 $0xFFFFF000  }
0x81: {  	_ =	swait.ge [sflag:s16], $0x1000  }
0x82: {  	[sflag:s16] =	ssyncset.done $0x0  }
0x83: {  	[sflag:s16] =	ssyncadd.s32 $0xFFFFF000  }
0x84: {  	_ =	swait.ge [sflag:s16], $0x1000  }
0x85: {  	[sflag:s16] =	ssyncset.done $0x0  }
0x86: {  	[sflag:s16] =	ssyncadd.s32 $0xFFFFF000  }
0x87: {  	_ =	swait.ge [sflag:s16], $0x1000  }
0x88: {  	[sflag:s16] =	ssyncset.done $0x0  }
0x89: {  	[sflag:s16] =	ssyncadd.s32 $0xFFFFF000  }
0x8a: {  	_ =	swait.ge [sflag:s16], $0x1000  }
0x8b: {  	p1 =	slt.u32 s17, $0x4;
	[sflag:s16] =	ssyncset.done $0x0  }
0x8c: {  	s17 =	simm.s32 @p1 $0x1;
	[sflag:s16] =	ssyncadd.s32 $0xFFFFF000  }
0x8d: {  	_ =	swait.ge @p1 [sflag:s17], $0x1000  }
0x8e: {  	[sflag:s17] =	ssyncset.done @p1 $0x0  }
0x8f: {  	s19 =	simm.s32 @p1 $0x3000;
	[sflag:s17] =	ssyncadd.s32 @p1 $0xFFFFF000  }
0x90: {  	s1 =	simm.s32 @p1 $0x11BA8;
	s0 =	simm.s32 @p1 $0x18BA8;
	[bflag:$0x0] =	sbarrier.arrive @p1 $0xFFFF  }
0x91: {  	[tilespmem:s0], [sflag:$0x3] =	stream.indirect.gather @p1 [spmem:s2], $0x1, s1, s19, $0xb8;
	[tilespmem:$0x1FBA8] =	vst v63  }
0x92: {  	s28 =	simm.s32 @!p1 $0x3000;
	s0 =	simm.s32 @p1 $0x14BA8;
	s1 =	simm.s32 @p1 $0x1BBA8  }
0x93: {  	[tilespmem:s1], [sflag:$0x4] =	stream.indirect.gather @p1 [spmem:s2], $0x1, s0, s19, $0xb8;
	[tilespmem:$0x1FBA8] =	vst v63  }
0x94: {  	s8 =	simm.s32 @p1 $0x1EBA8;
	s0 =	simm.s32 @p1 $0x1000;
	s1 =	simm.s32 @p1 $0x17BA8  }
0x95: {  	[tilespmem:s8], [sflag:$0x1] =	stream.indirect.gather @p1 [spmem:s2], $0x1, s1, s0, $0xb8;
	[tilespmem:$0x1FBA8] =	vst v63  }
0x96: {  	s0 =	simm.s32 @!p1 $0x18BA8;
	s1 =	simm.s32 @!p1 $0x11BA8;
	[bflag:$0x0] =	sbarrier.arrive @!p1 $0xFFFF  }
0x97: {  	[tilespmem:s0], [sflag:$0x3] =	stream.indirect.gather @!p1 [spmem:s2], $0x1, s1, s28, $0xb8;
	[tilespmem:$0x1FBA8] =	vst v63  }
0x98: {  	s30 =	simm.s32 @!p1 $0x14BA8;
	s31 =	simm.s32 @!p1 $0x1BBA8;
	s1 =	simm.s32 $0x3  }
0x99: {  	[tilespmem:s31], [sflag:$0x4] =	stream.indirect.gather @!p1 [spmem:s2], $0x1, s30, s28, $0xb8;
	[tilespmem:$0x1FBA8] =	vst v63  }
0x9a: {  	_ =	swait.ge [sflag:s1], $0x3000  }
0x9b: {  	s29 =	sld [smem:$0x7F8]  }
0x9c: {  	[sflag:s1] =	ssyncset.done $0x0;
	s8 =	sld [smem:$0x7F9]  }
0x9d: {  	s14 =	rddreg [dreg:$0x19];
	[sflag:s1] =	ssyncadd.s32 $0xFFFFD000  }
0x9e: {  	[hbm4b:s5+s6] =	stream.strided.scatter [tilespmem:s29], [sflag:$0x2], $0x1000, s7, s6, $0x38;
	[tilespmem:$0x1FBA8] =	vst v63  }
0x9f: {  	s18 =	sld [smem:$0x7FA]  }
0xa0: {  	[hbm4b:s14+s6] =	stream.strided.scatter [tilespmem:s8], [sflag:$0x2], $0x1000, s7, s6, $0x38;
	[tilespmem:$0x1FBA8] =	vst v63  }
0xa1: {  	s0 =	simm.s32 $0x4;
	s20 =	rddreg [dreg:$0x1a]  }
0xa2: {  	[hbm4b:s20+s6] =	stream.strided.scatter [tilespmem:s18], [sflag:$0x2], $0x1000, s7, s6, $0x38;
	[tilespmem:$0x1FBA8] =	vst v63  }
0xa3: {  	_ =	swait.ge [sflag:s0], $0x3000  }
0xa4: {  	s22 =	rddreg [dreg:$0x1b]  }
0xa5: {  	s23 =	sld [smem:$0x7FB]  }
0xa6: {  	[sflag:s0] =	ssyncset.done $0x0;
	s20 =	rddreg [dreg:$0x1c]  }
0xa7: {  	s24 =	sld [smem:$0x7FC];
	[sflag:s0] =	ssyncadd.s32 $0xFFFFD000  }
0xa8: {  	[hbm4b:s22+s6] =	stream.strided.scatter [tilespmem:s23], [sflag:$0x2], $0x1000, s7, s6, $0x38;
	[tilespmem:$0x1FBA8] =	vst v63  }
0xa9: {  	s25 =	sld [smem:$0x7FD]  }
0xaa: {  	[hbm4b:s20+s6] =	stream.strided.scatter [tilespmem:s24], [sflag:$0x2], $0x1000, s7, s6, $0x38;
	[tilespmem:$0x1FBA8] =	vst v63  }
0xab: {  	s8 =	simm.s32 @!p0 $0x1;
	s26 =	rddreg [dreg:$0x1d]  }
0xac: {  	[hbm4b:s26+s6] =	stream.strided.scatter [tilespmem:s25], [sflag:$0x2], $0x1000, s7, s6, $0x38;
	[tilespmem:$0x1FBA8] =	vst v63  }
0xad: {  	_ =	swait.ge @!p0 [sflag:s8], $0x1000  }
0xae: {  	[sflag:s8] =	ssyncset.done @!p0 $0x0  }
0xaf: {  	s18 =	simm.s32 @!p0 $0x1EBA8;
	s14 =	rddreg [dreg:$0x1e];
	[sflag:s8] =	ssyncadd.s32 @!p0 $0xFFFFF000  }
0xb0: {  	[hbm4b:s14+s9] =	stream.strided.scatter @!p0 [tilespmem:s18], [sflag:$0x5], $0x1000, s10, s9, $0x38;
	[tilespmem:$0x1FBA8] =	vst v63  }
0xb1: {  	_ =	swait.ge @!p0 [sflag:s13], $0x1000  }
0xb2: {  	[sflag:s13] =	ssyncset.done @!p0 $0x0  }
0xb3: {  	s14 =	simm.s32 $0x2;
	[sflag:s13] =	ssyncadd.s32 @!p0 $0xFFFFF000  }
0xb4: {  	_ =	swait.ge [sflag:s14], $0x1000  }
0xb5: {  	[sflag:s14] =	ssyncset.done $0x0  }
0xb6: {  	s21 =	ssub.s32 $0x2, s21;
	[sflag:s14] =	ssyncadd.s32 $0xFFFFF000  }
0xb7: {  	s29 =	sshrl.u32 s21, $0x1;
	_ =	swait.ge [sflag:s14], $0x1000  }
0xb8: {  	s20 =	ssub.s32 s21, s29;
	[sflag:s14] =	ssyncset.done $0x0  }
0xb9: {  	s20 =	smax.u32 s20, $0x1;
	[sflag:s14] =	ssyncadd.s32 $0xFFFFF000  }
0xba: {  	s20 =	sadd.s32 $0xFFFFFFFF, s20;
	_ =	swait.ge [sflag:s14], $0x1000  }
0xbb: {  	p2 =	sne.s32 s20, $0x0;
	[sflag:s14] =	ssyncset.done $0x0  }
.Ltmp0:
0xbc: {  	[sflag:s14] =	ssyncadd.s32 $0xFFFFF000;
	(pc) =	sbr.rel @!p2 .LBB2_2-.Ltmp0, $4  }
0xbd: {  	_ =	swait.ge [sflag:s14], $0x1000  }
0xbe: {  	[sflag:s14] =	ssyncset.done $0x0  }
0xbf: {  	[sflag:s14] =	ssyncadd.s32 $0xFFFFF000  }
0xc0: {  	_ =	swait.ge [sflag:s14], $0x1000  }
.LBB2_1:
0xc1: {  	[sflag:s14] =	ssyncset.done $0x0  }
0xc2: {  	[sflag:s14] =	ssyncadd.s32 $0xFFFFF000  }
0xc3: {  	_ =	swait.ge [sflag:s14], $0x1000  }
0xc4: {  	s21 =	sld [smem:$0x7F3]  }
0xc5: {  	s22 =	sld [smem:$0x7F4]  }
0xc6: {  	s23 =	sld [smem:$0x7F5]  }
0xc7: {  	s24 =	sld [smem:$0x7F6]  }
0xc8: {  	[sflag:s14] =	ssyncset.done $0x0;
	s25 =	rddreg [dreg:$0x1f]  }
0xc9: {  	s26 =	sld [smem:$0x7F7];
	[sflag:s14] =	ssyncadd.s32 $0xFFFFF000  }
0xca: {  	[tilespmem:s25], [sflag:$0x1] =	stream.strided.gather [hbm4b:s4+s6], $0x1000, s7, s6, $0x38;
	[tilespmem:$0x1FBA8] =	vst v63  }
0xcb: {  	s29 =	rddreg [dreg:$0x5]  }
0xcc: {  	[tilespmem:s26], [sflag:$0x1] =	stream.strided.gather [hbm4b:s29+s6], $0x1000, s7, s6, $0x38;
	[tilespmem:$0x1FBA8] =	vst v63  }
0xcd: {  	s25 =	rddreg [dreg:$0x6]  }
0xce: {  	[tilespmem:s24], [sflag:$0x1] =	stream.strided.gather [hbm4b:s25+s6], $0x1000, s7, s6, $0x38;
	[tilespmem:$0x1FBA8] =	vst v63  }
0xcf: {  	s29 =	rddreg [dreg:$0x7]  }
0xd0: {  	[tilespmem:s23], [sflag:$0x1] =	stream.strided.gather [hbm4b:s29+s6], $0x1000, s7, s6, $0x38;
	[tilespmem:$0x1FBA8] =	vst v63  }
0xd1: {  	s25 =	rddreg [dreg:$0x8]  }
0xd2: {  	[tilespmem:s22], [sflag:$0x1] =	stream.strided.gather [hbm4b:s25+s6], $0x1000, s7, s6, $0x38;
	[tilespmem:$0x1FBA8] =	vst v63  }
0xd3: {  	s26 =	rddreg [dreg:$0x9]  }
0xd4: {  	[tilespmem:s21], [sflag:$0x1] =	stream.strided.gather [hbm4b:s26+s6], $0x1000, s7, s6, $0x38;
	[tilespmem:$0x1FBA8] =	vst v63  }
0xd5: {  	s23 =	simm.s32 @!p0 $0x17BA8;
	s22 =	rddreg [dreg:$0xa]  }
0xd6: {  	[tilespmem:s23], [sflag:$0x1] =	stream.strided.gather @!p0 [hbm4b:s22+s9], $0x1000, s10, s9, $0x38;
	[tilespmem:$0x1FBA8] =	vst v63  }
0xd7: {  	s29 =	rddreg [dreg:$0xb]  }
0xd8: {  	[tilespmem:s11], [sflag:$0x5] =	stream.linear.gather [hbm4b:s29+s3], $0x2710, $0x38;
	[tilespmem:$0x1FBA8] =	vst v63  }
0xd9: {  	_ =	swait.ge [sflag:s12], $0x2710  }
0xda: {  	[sflag:s12] =	ssyncset.done $0x0  }
0xdb: {  	s24 =	rddreg [dreg:$0xc];
	[sflag:s12] =	ssyncadd.s32 $0xFFFFD8F0  }
0xdc: {  	[spmem:s24] =	stream.linear.scatter [tilespmem:s11], [sflag:$0x5], $0x2710, $0x38;
	[tilespmem:$0x1FBA8] =	vst v63  }
0xdd: {  	_ =	swait.ge [sflag:s12], $0x2710  }
0xde: {  	[sflag:s12] =	ssyncset.done $0x0  }
0xdf: {  	s25 =	rddreg [dreg:$0xd];
	[sflag:s12] =	ssyncadd.s32 $0xFFFFD8F0  }
0xe0: {  	[tilespmem:s11], [sflag:$0x5] =	stream.linear.gather [hbm4b:s25+s3], $0x2710, $0x38;
	[tilespmem:$0x1FBA8] =	vst v63  }
0xe1: {  	_ =	swait.ge [sflag:s12], $0x2710  }
0xe2: {  	[sflag:s12] =	ssyncset.done $0x0  }
0xe3: {  	s26 =	rddreg [dreg:$0xe];
	[sflag:s12] =	ssyncadd.s32 $0xFFFFD8F0  }
0xe4: {  	[spmem:s26] =	stream.linear.scatter [tilespmem:s11], [sflag:$0x5], $0x2710, $0x38;
	[tilespmem:$0x1FBA8] =	vst v63  }
0xe5: {  	_ =	swait.ge [sflag:s12], $0x2710  }
0xe6: {  	[sflag:s12] =	ssyncset.done $0x0  }
0xe7: {  	s29 =	rddreg [dreg:$0xf];
	[sflag:s12] =	ssyncadd.s32 $0xFFFFD8F0  }
0xe8: {  	[tilespmem:s11], [sflag:$0x5] =	stream.linear.gather [hbm4b:s29+s3], $0x2710, $0x38;
	[tilespmem:$0x1FBA8] =	vst v63  }
0xe9: {  	_ =	swait.ge [sflag:s12], $0x2710  }
0xea: {  	[sflag:s12] =	ssyncset.done $0x0  }
0xeb: {  	s22 =	rddreg [dreg:$0x10];
	[sflag:s12] =	ssyncadd.s32 $0xFFFFD8F0  }
0xec: {  	[spmem:s22] =	stream.linear.scatter [tilespmem:s11], [sflag:$0x5], $0x2710, $0x38;
	[tilespmem:$0x1FBA8] =	vst v63  }
0xed: {  	_ =	swait.ge [sflag:s12], $0x2710  }
0xee: {  	[sflag:s12] =	ssyncset.done $0x0  }
0xef: {  	s23 =	rddreg [dreg:$0x11];
	[sflag:s12] =	ssyncadd.s32 $0xFFFFD8F0  }
0xf0: {  	[tilespmem:s11], [sflag:$0x5] =	stream.linear.gather [hbm4b:s23+s3], $0x2710, $0x38;
	[tilespmem:$0x1FBA8] =	vst v63  }
0xf1: {  	_ =	swait.ge [sflag:s12], $0x2710  }
0xf2: {  	[sflag:s12] =	ssyncset.done $0x0  }
0xf3: {  	s24 =	rddreg [dreg:$0x12];
	[sflag:s12] =	ssyncadd.s32 $0xFFFFD8F0  }
0xf4: {  	[spmem:s24] =	stream.linear.scatter [tilespmem:s11], [sflag:$0x5], $0x2710, $0x38;
	[tilespmem:$0x1FBA8] =	vst v63  }
0xf5: {  	_ =	swait.ge [sflag:s12], $0x2710  }
0xf6: {  	[sflag:s12] =	ssyncset.done $0x0  }
0xf7: {  	s25 =	rddreg [dreg:$0x13];
	[sflag:s12] =	ssyncadd.s32 $0xFFFFD8F0  }
0xf8: {  	[tilespmem:s11], [sflag:$0x5] =	stream.linear.gather [hbm4b:s25+s3], $0x2710, $0x38;
	[tilespmem:$0x1FBA8] =	vst v63  }
0xf9: {  	_ =	swait.ge [sflag:s12], $0x2710  }
0xfa: {  	[sflag:s12] =	ssyncset.done $0x0  }
0xfb: {  	s26 =	rddreg [dreg:$0x14];
	[sflag:s12] =	ssyncadd.s32 $0xFFFFD8F0  }
0xfc: {  	[spmem:s26] =	stream.linear.scatter [tilespmem:s11], [sflag:$0x5], $0x2710, $0x38;
	[tilespmem:$0x1FBA8] =	vst v63  }
0xfd: {  	_ =	swait.ge [sflag:s12], $0x2710  }
0xfe: {  	[sflag:s12] =	ssyncset.done $0x0  }
0xff: {  	s29 =	rddreg [dreg:$0x15];
	[sflag:s12] =	ssyncadd.s32 $0xFFFFD8F0  }
0x100: {  	[tilespmem:s11], [sflag:$0x5] =	stream.linear.gather [hbm4b:s29+s3], $0x2710, $0x38;
	[tilespmem:$0x1FBA8] =	vst v63  }
0x101: {  	_ =	swait.ge [sflag:s12], $0x2710  }
0x102: {  	[sflag:s12] =	ssyncset.done $0x0  }
0x103: {  	s22 =	rddreg [dreg:$0x16];
	[sflag:s12] =	ssyncadd.s32 $0xFFFFD8F0  }
0x104: {  	[spmem:s22] =	stream.linear.scatter [tilespmem:s11], [sflag:$0x5], $0x2710, $0x38;
	[tilespmem:$0x1FBA8] =	vst v63  }
0x105: {  	_ =	swait.ge [sflag:s12], $0x2710  }
0x106: {  	[sflag:s12] =	ssyncset.done $0x0  }
0x107: {  	s22 =	simm.s32 @!p0 $0x0;
	s21 =	rddreg [dreg:$0x17];
	[sflag:s12] =	ssyncadd.s32 $0xFFFFD8F0  }
0x108: {  	[tilespmem:s15], [sflag:$0x5] =	stream.linear.gather @!p0 [hbm4b:s21+s22], $0x2710, $0x38;
	[tilespmem:$0x1FBA8] =	vst v63  }
0x109: {  	_ =	swait.ge @!p0 [sflag:s13], $0x2710  }
0x10a: {  	[sflag:s13] =	ssyncset.done @!p0 $0x0  }
0x10b: {  	s21 =	rddreg [dreg:$0x18];
	[sflag:s13] =	ssyncadd.s32 @!p0 $0xFFFFD8F0  }
0x10c: {  	[spmem:s21] =	stream.linear.scatter @!p0 [tilespmem:s15], [sflag:$0x5], $0x2710, $0x38;
	[tilespmem:$0x1FBA8] =	vst v63  }
0x10d: {  	_ =	swait.ge @!p0 [sflag:s13], $0x2710  }
0x10e: {  	[sflag:s13] =	ssyncset.done @!p0 $0x0  }
0x10f: {  	[sflag:s13] =	ssyncadd.s32 @!p0 $0xFFFFD8F0  }
0x110: {  	_ =	swait.ge [sflag:s16], $0x1000  }
0x111: {  	[sflag:s16] =	ssyncset.done $0x0  }
0x112: {  	[sflag:s16] =	ssyncadd.s32 $0xFFFFF000  }
0x113: {  	_ =	swait.ge [sflag:s16], $0x1000  }
0x114: {  	[sflag:s16] =	ssyncset.done $0x0  }
0x115: {  	[sflag:s16] =	ssyncadd.s32 $0xFFFFF000  }
0x116: {  	_ =	swait.ge [sflag:s16], $0x1000  }
0x117: {  	[sflag:s16] =	ssyncset.done $0x0  }
0x118: {  	[sflag:s16] =	ssyncadd.s32 $0xFFFFF000  }
0x119: {  	_ =	swait.ge [sflag:s16], $0x1000  }
0x11a: {  	[sflag:s16] =	ssyncset.done $0x0  }
0x11b: {  	[sflag:s16] =	ssyncadd.s32 $0xFFFFF000  }
0x11c: {  	_ =	swait.ge [sflag:s16], $0x1000  }
0x11d: {  	[sflag:s16] =	ssyncset.done $0x0  }
0x11e: {  	[sflag:s16] =	ssyncadd.s32 $0xFFFFF000  }
0x11f: {  	_ =	swait.ge [sflag:s16], $0x1000  }
0x120: {  	[sflag:s16] =	ssyncset.done $0x0  }
0x121: {  	[sflag:s16] =	ssyncadd.s32 $0xFFFFF000  }
0x122: {  	_ =	swait.ge @p1 [sflag:s17], $0x1000  }
0x123: {  	[sflag:s17] =	ssyncset.done @p1 $0x0  }
0x124: {  	[sflag:s17] =	ssyncadd.s32 @p1 $0xFFFFF000  }
0x125: {  	s22 =	simm.s32 @p1 $0x11BA8;
	s21 =	simm.s32 @p1 $0x18BA8;
	[bflag:$0x0] =	sbarrier.arrive @p1 $0xFFFF  }
0x126: {  	[tilespmem:s21], [sflag:$0x3] =	stream.indirect.gather @p1 [spmem:s2], $0x1, s22, s19, $0xb8;
	[tilespmem:$0x1FBA8] =	vst v63  }
0x127: {  	s21 =	simm.s32 @p1 $0x14BA8;
	s22 =	simm.s32 @p1 $0x1BBA8  }
0x128: {  	[tilespmem:s22], [sflag:$0x4] =	stream.indirect.gather @p1 [spmem:s2], $0x1, s21, s19, $0xb8;
	[tilespmem:$0x1FBA8] =	vst v63  }
0x129: {  	s23 =	simm.s32 @p1 $0x1EBA8;
	s21 =	simm.s32 @p1 $0x1000;
	s22 =	simm.s32 @p1 $0x17BA8  }
0x12a: {  	[tilespmem:s23], [sflag:$0x1] =	stream.indirect.gather @p1 [spmem:s2], $0x1, s22, s21, $0xb8;
	[tilespmem:$0x1FBA8] =	vst v63  }
0x12b: {  	s21 =	simm.s32 @!p1 $0x18BA8;
	s22 =	simm.s32 @!p1 $0x11BA8;
	[bflag:$0x0] =	sbarrier.arrive @!p1 $0xFFFF  }
0x12c: {  	[tilespmem:s21], [sflag:$0x3] =	stream.indirect.gather @!p1 [spmem:s2], $0x1, s22, s28, $0xb8;
	[tilespmem:$0x1FBA8] =	vst v63  }
0x12d: {  	_ = 	snop  }
0x12e: {  	[tilespmem:s31], [sflag:$0x4] =	stream.indirect.gather @!p1 [spmem:s2], $0x1, s30, s28, $0xb8;
	[tilespmem:$0x1FBA8] =	vst v63  }
0x12f: {  	_ =	swait.ge [sflag:s1], $0x3000  }
0x130: {  	s24 =	sld [smem:$0x7F8]  }
0x131: {  	s23 =	sld [smem:$0x7F9];
	[sflag:s1] =	ssyncset.done $0x0  }
0x132: {  	s25 =	rddreg [dreg:$0x19];
	[sflag:s1] =	ssyncadd.s32 $0xFFFFD000  }
0x133: {  	[hbm4b:s5+s6] =	stream.strided.scatter [tilespmem:s24], [sflag:$0x2], $0x1000, s7, s6, $0x38;
	[tilespmem:$0x1FBA8] =	vst v63  }
0x134: {  	s29 =	sld [smem:$0x7FA]  }
0x135: {  	[hbm4b:s25+s6] =	stream.strided.scatter [tilespmem:s23], [sflag:$0x2], $0x1000, s7, s6, $0x38;
	[tilespmem:$0x1FBA8] =	vst v63  }
0x136: {  	s26 =	rddreg [dreg:$0x1a]  }
0x137: {  	[hbm4b:s26+s6] =	stream.strided.scatter [tilespmem:s29], [sflag:$0x2], $0x1000, s7, s6, $0x38;
	[tilespmem:$0x1FBA8] =	vst v63  }
0x138: {  	_ =	swait.ge [sflag:s0], $0x3000  }
0x139: {  	s21 =	rddreg [dreg:$0x1c]  }
0x13a: {  	s24 =	sld [smem:$0x7FB]  }
0x13b: {  	[sflag:s0] =	ssyncset.done $0x0;
	s23 =	rddreg [dreg:$0x1b]  }
0x13c: {  	s25 =	sld [smem:$0x7FC];
	[sflag:s0] =	ssyncadd.s32 $0xFFFFD000  }
0x13d: {  	[hbm4b:s23+s6] =	stream.strided.scatter [tilespmem:s24], [sflag:$0x2], $0x1000, s7, s6, $0x38;
	[tilespmem:$0x1FBA8] =	vst v63  }
0x13e: {  	s26 =	sld [smem:$0x7FD]  }
0x13f: {  	[hbm4b:s21+s6] =	stream.strided.scatter [tilespmem:s25], [sflag:$0x2], $0x1000, s7, s6, $0x38;
	[tilespmem:$0x1FBA8] =	vst v63  }
0x140: {  	s29 =	rddreg [dreg:$0x1d]  }
0x141: {  	[hbm4b:s29+s6] =	stream.strided.scatter [tilespmem:s26], [sflag:$0x2], $0x1000, s7, s6, $0x38;
	[tilespmem:$0x1FBA8] =	vst v63  }
0x142: {  	_ =	swait.ge @!p0 [sflag:s8], $0x1000  }
0x143: {  	[sflag:s8] =	ssyncset.done @!p0 $0x0  }
0x144: {  	s21 =	rddreg [dreg:$0x1e];
	[sflag:s8] =	ssyncadd.s32 @!p0 $0xFFFFF000  }
0x145: {  	[hbm4b:s21+s9] =	stream.strided.scatter @!p0 [tilespmem:s18], [sflag:$0x5], $0x1000, s10, s9, $0x38;
	[tilespmem:$0x1FBA8] =	vst v63  }
0x146: {  	_ =	swait.ge @!p0 [sflag:s13], $0x1000  }
0x147: {  	[sflag:s13] =	ssyncset.done @!p0 $0x0  }
0x148: {  	[sflag:s13] =	ssyncadd.s32 @!p0 $0xFFFFF000  }
0x149: {  	_ =	swait.ge [sflag:s14], $0x1000  }
0x14a: {  	[sflag:s14] =	ssyncset.done $0x0  }
0x14b: {  	[sflag:s14] =	ssyncadd.s32 $0xFFFFF000  }
0x14c: {  	_ =	swait.ge [sflag:s14], $0x1000  }
0x14d: {  	[sflag:s14] =	ssyncset.done $0x0  }
0x14e: {  	[sflag:s14] =	ssyncadd.s32 $0xFFFFF000  }
0x14f: {  	s20 =	sadd.s32 $0xFFFFFFFF, s20;
	_ =	swait.ge [sflag:s14], $0x1000  }
0x150: {  	p2 =	sne.s32 s20, $0x0;
	[sflag:s14] =	ssyncset.done $0x0  }
.Ltmp1:
0x151: {  	[sflag:s14] =	ssyncadd.s32 $0xFFFFF000;
	(pc) =	sbr.rel @p2 .LBB2_1-.Ltmp1, $4  }
0x152: {  	_ =	swait.ge [sflag:s14], $0x1000  }
0x153: {  	[sflag:s14] =	ssyncset.done $0x0  }
0x154: {  	[sflag:s14] =	ssyncadd.s32 $0xFFFFF000  }
0x155: {  	_ =	swait.ge [sflag:s14], $0x1000  }
.LBB2_2:
0x156: {  	[sflag:s14] =	ssyncset.done $0x0  }
0x157: {  	[sflag:s14] =	ssyncadd.s32 $0xFFFFF000  }
0x158: {  	_ =	swait.ge [sflag:s14], $0x1000  }
0x159: {  	[sflag:s14] =	ssyncset.done $0x0  }
0x15a: {  	[sflag:s14] =	ssyncadd.s32 $0xFFFFF000  }
0x15b: {  	_ =	sfence.sel $0x180000  }
0x15c: {  	[bflag:$0x0] =	sbarrier.arrive $0xFFFF  }
0x15d: {  	_ =	strace $0x90000047  }
0x15e: {  	s0 =	stileid.u32;
	[bflag:$0x2] =	sbarrier.arrive $0xFFFF  }
0x15f: {  	p0 =	sne.s32 s0, $0x0;
	s0 =	rddreg [dreg:$0x4]  }
0x160: {  	s0 =	sadd.s32 @!p0 $0x100000, s0  }
0x161: {  	[sflag:s0] =	ssyncadd.tile.s32 @!p0 $0x1;
	_ =	shalt  }
.Lfunc_end2:
_tile_overlayer_lowered:
.L_overlay_start_2:
0x162: {  	(tag) =	ssettag $0x2  }
0x163: {  	s0 =	rddreg [dreg:$0x0];
	s2 =	stileid.u32  }
0x164: {  	s1 =	rddreg [dreg:$0x1];
	p0 =	sne.s32 s2, $0x0  }
0x165: {  	s3 =	rddreg [dreg:$0x2];
	[bflag:$0x3] =	sbarrier.arrive $0xFFFF;
	s2 =	simm.s32 @!p0 $0x1C05  }
0x166: {  	[timem:s3], [sflag:s2] =	dma.local @!p0 [hbm:s0], s1  }
0x167: {  	s0 =	simm.s32 @!p0 $0x5  }
0x168: {  	_ =	swait.ge @!p0 [sflag:s0], s1  }
0x169: {  	s1 =	ssub.s32 @!p0 $0x0, s1;
	[sflag:s0] =	ssyncset.done @!p0 $0x0  }
0x16a: {  	[sflag:s0] =	ssyncadd.s32 @!p0 s1  }
0x16b: {  	[bflag:$0x3] =	sbarrier.arrive $0xFFFF  }
0x16c: {  	_ =	shalt  }

</sc_bundles>
